<compile_context>
chip_gen: v7x
topology: tpu7x:2x2x1
jax: 0.10.2.dev20260603
libtpu: 0.0.44.dev20260713+nightly
codegen_flags: <defaults>
</compile_context>

<pallas_src>
import functools

import jax
import jax.numpy as jnp
from jax import lax
from jax.experimental import pallas as pl
from jax.experimental.pallas import tpu as pltpu
from jax.experimental.pallas import tpu_sc as plsc

NC, NS, LANES = 2, 16, 16
NW = NC * NS

BATCH, SEQ, DIM = 4, 8192, 1024
ROWS_PER_W = SEQ // NW
R = 8
NBLK = ROWS_PER_W // R
DEPTH = 3
UNROLL = 16
NB_MAIN = (NBLK // DEPTH) * DEPTH


def _sc_body(x_hbm, w_hbm, o_hbm, *refs):
    xbufs = refs[0:DEPTH]
    wq = refs[DEPTH:2 * DEPTH]
    sems = refs[2 * DEPTH:]
    sins = sems[0:DEPTH]
    souts = sems[DEPTH:2 * DEPTH]
    swq = sems[2 * DEPTH:]

    wid = lax.axis_index("s") * NC + lax.axis_index("c")
    row0 = wid * ROWS_PER_W

    def wslice(blk):
        return w_hbm.at[pl.ds(row0 + blk * R, R)]

    def xslice(ref, blk):
        return ref.at[:, pl.ds(row0 + blk * R, R), :]

    def add_block(wbuf, xbuf):
        @plsc.parallel_loop(0, BATCH)
        def _batches(b):
            @plsc.parallel_loop(0, R)
            def _rows(r):
                @plsc.parallel_loop(0, DIM, step=LANES, unroll=UNROLL)
                def _cols(c):
                    wv = wbuf[r, pl.ds(c, LANES)]
                    plsc.addupdate(xbuf.at[b, r, pl.ds(c, LANES)], wv)

    def half(blk, q, tail=False):
        qn = (q + 2) % DEPTH
        pltpu.make_async_copy(wslice(blk), wq[q], swq[q]).wait()
        pltpu.make_async_copy(xslice(x_hbm, blk), xbufs[q], sins[q]).wait()
        add_block(wq[q], xbufs[q])
        pltpu.async_copy(xbufs[q], xslice(o_hbm, blk), souts[q])

        if tail:
            return

        @pl.when(blk + 2 < NBLK)
        def _prep():
            pltpu.async_copy(wslice(blk + 2), wq[qn], swq[qn])

            @pl.when(blk > 0)
            def _drain():
                pltpu.make_async_copy(xbufs[qn], xslice(o_hbm, blk - 1),
                                      souts[qn]).wait()
            pltpu.async_copy(xslice(x_hbm, blk + 2), xbufs[qn], sins[qn])

    for blk in (0, 1):
        pltpu.async_copy(wslice(blk), wq[blk], swq[blk])
        pltpu.async_copy(xslice(x_hbm, blk), xbufs[blk], sins[blk])

    def body(i, _):
        blk = DEPTH * i
        half(blk, 0)
        half(blk + 1, 1)
        half(blk + 2, 2)
        return _

    lax.fori_loop(0, NB_MAIN // DEPTH, body, 0)
    for blk in range(NB_MAIN, NBLK):
        half(blk, blk % DEPTH, tail=True)
    for blk in range(NBLK - DEPTH, NBLK):
        pltpu.make_async_copy(xbufs[blk % DEPTH], xslice(o_hbm, blk),
                              souts[blk % DEPTH]).wait()


@functools.partial(jax.jit, static_argnums=())
def kernel(inputs, W):
    batch, seq_len, dim = inputs.shape
    run = pl.kernel(
        _sc_body,
        out_type=jax.ShapeDtypeStruct((batch, seq_len, dim), inputs.dtype),
        mesh=plsc.VectorSubcoreMesh(core_axis_name="c", subcore_axis_name="s"),
        compiler_params=pltpu.CompilerParams(use_tc_tiling_on_sc=True),
        scratch_types=(
            [pltpu.VMEM((BATCH, R, DIM), jnp.float32)] * DEPTH
            + [pltpu.VMEM((R, DIM), jnp.float32)] * DEPTH
            + [pltpu.SemaphoreType.DMA] * (3 * DEPTH)
        ),
    )
    return run(inputs, W)

# --- scband reference (transcript-rebuilt; emitter-appended) ---
"""Pipeline reference for scband-position-embedding-25950192403127 (READ-ONLY COPY).

The authoritative reference and input builder live on the scoring server;
editing this copy changes nothing except your own understanding.
"""

import jax, jax.numpy as jnp
import numpy as np


def setup_inputs(seed: int = 0) -> dict:
    key = jax.random.key(seed)
    k1, k2 = jax.random.split(key)
    inputs = jax.random.normal(k1, (4, 8192, 1024), dtype=jnp.float32)
    # learned position embedding table, normal init with std=0.02 per init_kwargs
    W = jax.random.normal(k2, (8192, 1024), dtype=jnp.float32) * 0.02
    return {"inputs": inputs, "W": W}


def reference(inputs, W):
    # PositionEmbedding.forward with custom_position_ids=False, hierarchical=None, merge_mode='add'
    batch_size, seq_len = inputs.shape[0], inputs.shape[1]
    position_ids = jnp.arange(0, seq_len, dtype=jnp.int32)[None]  # [1, seq_len]
    embedding = jnp.take(W, position_ids, axis=0)  # [1, seq_len, output_dim]
    embeddings = embedding[:, :seq_len]  # [1, seq_len, output_dim]
    # merge_mode == 'add': broadcast over batch
    return inputs + embeddings

if __name__ == "__main__":
    import jax
    _d = setup_inputs()
    print(jax.jit(kernel)(*tuple(_d.values())))

</pallas_src>

<mosaic_0001>
#map = affine_map<(d0, d1) -> (0, 0, 0)>
#map1 = affine_map<(d0, d1) -> (0, 0)>
module attributes {stable_mosaic.version = 14 : i64} {
  func.func @_sc_body(%arg0: i32, %arg1: i32, %arg2: memref<4x8192x1024xf32, #tpu.memory_space<hbm>>, %arg3: memref<8192x1024xf32, #tpu.memory_space<hbm>>, %arg4: memref<4x8192x1024xf32, #tpu.memory_space<hbm>>, %arg5: memref<4x8x1024xf32, #tpu.memory_space<vmem>>, %arg6: memref<4x8x1024xf32, #tpu.memory_space<vmem>>, %arg7: memref<4x8x1024xf32, #tpu.memory_space<vmem>>, %arg8: memref<8x1024xf32, #tpu.memory_space<vmem>>, %arg9: memref<8x1024xf32, #tpu.memory_space<vmem>>, %arg10: memref<8x1024xf32, #tpu.memory_space<vmem>>, %arg11: memref<!tpu.dma_semaphore, #tpu.memory_space<semaphore_mem>>, %arg12: memref<!tpu.dma_semaphore, #tpu.memory_space<semaphore_mem>>, %arg13: memref<!tpu.dma_semaphore, #tpu.memory_space<semaphore_mem>>, %arg14: memref<!tpu.dma_semaphore, #tpu.memory_space<semaphore_mem>>, %arg15: memref<!tpu.dma_semaphore, #tpu.memory_space<semaphore_mem>>, %arg16: memref<!tpu.dma_semaphore, #tpu.memory_space<semaphore_mem>>, %arg17: memref<!tpu.dma_semaphore, #tpu.memory_space<semaphore_mem>>, %arg18: memref<!tpu.dma_semaphore, #tpu.memory_space<semaphore_mem>>, %arg19: memref<!tpu.dma_semaphore, #tpu.memory_space<semaphore_mem>>) attributes {dimension_semantics = [#tpu.dimension_semantics<core_parallel>, #tpu.dimension_semantics<subcore_parallel>], iteration_bounds = array<i64: 2, 16>, scalar_prefetch = 0 : i64, scratch_operands = 15 : i64, tpu.core_type = #tpu.core_type<sc_vector_subcore>, window_params = [{transform_indices = #map}, {transform_indices = #map1}, {transform_indices = #map}]} {
    %mul3A = arith.constant 2 : i32
    %mul3A_0 = arith.muli %arg1, %mul3A : i32
    %add3A = arith.addi %mul3A_0, %arg0 : i32
    %mul3A_1 = arith.constant 256 : i32
    %mul3A_2 = arith.muli %add3A, %mul3A_1 : i32
    %add3A_3 = arith.constant 0 : i32
    %add3A_4 = arith.addi %mul3A_2, %add3A_3 : i32
    %dma_start3A = arith.constant 0 : i32
    %dma_start3A_5 = tpu.memref_slice %arg3[%add3A_4, %dma_start3A] : memref<8192x1024xf32, #tpu.memory_space<hbm>> -> memref<8x1024xf32, #tpu.memory_space<hbm>>
    %dma_start3A_6 = arith.constant 0 : i32
    %dma_start3A_7 = tpu.memref_slice %arg3[%add3A_4, %dma_start3A_6] : memref<8192x1024xf32, #tpu.memory_space<hbm>> -> memref<8x1024xf32, #tpu.memory_space<hbm>>
    tpu.enqueue_dma source(%dma_start3A_7 : memref<8x1024xf32, #tpu.memory_space<hbm>>) target(%arg8 : memref<8x1024xf32, #tpu.memory_space<vmem>>) target_semaphore(%arg17 : memref<!tpu.dma_semaphore, #tpu.memory_space<semaphore_mem>>)
    %add3A_8 = arith.constant 0 : i32
    %add3A_9 = arith.addi %mul3A_2, %add3A_8 : i32
    %dma_start3A_10 = arith.constant 0 : i32
    %dma_start3A_11 = arith.constant 0 : i32
    %dma_start3A_12 = tpu.memref_slice %arg2[%dma_start3A_10, %add3A_9, %dma_start3A_11] : memref<4x8192x1024xf32, #tpu.memory_space<hbm>> -> memref<4x8x1024xf32, #tpu.memory_space<hbm>>
    %dma_start3A_13 = arith.constant 0 : i32
    %dma_start3A_14 = arith.constant 0 : i32
    %dma_start3A_15 = tpu.memref_slice %arg2[%dma_start3A_13, %add3A_9, %dma_start3A_14] : memref<4x8192x1024xf32, #tpu.memory_space<hbm>> -> memref<4x8x1024xf32, #tpu.memory_space<hbm>>
    tpu.enqueue_dma source(%dma_start3A_15 : memref<4x8x1024xf32, #tpu.memory_space<hbm>>) target(%arg5 : memref<4x8x1024xf32, #tpu.memory_space<vmem>>) target_semaphore(%arg11 : memref<!tpu.dma_semaphore, #tpu.memory_space<semaphore_mem>>)
    %add3A_16 = arith.constant 8 : i32
    %add3A_17 = arith.addi %mul3A_2, %add3A_16 : i32
    %dma_start3A_18 = arith.constant 0 : i32
    %dma_start3A_19 = tpu.memref_slice %arg3[%add3A_17, %dma_start3A_18] : memref<8192x1024xf32, #tpu.memory_space<hbm>> -> memref<8x1024xf32, #tpu.memory_space<hbm>>
    %dma_start3A_20 = arith.constant 0 : i32
    %dma_start3A_21 = tpu.memref_slice %arg3[%add3A_17, %dma_start3A_20] : memref<8192x1024xf32, #tpu.memory_space<hbm>> -> memref<8x1024xf32, #tpu.memory_space<hbm>>
    tpu.enqueue_dma source(%dma_start3A_21 : memref<8x1024xf32, #tpu.memory_space<hbm>>) target(%arg9 : memref<8x1024xf32, #tpu.memory_space<vmem>>) target_semaphore(%arg18 : memref<!tpu.dma_semaphore, #tpu.memory_space<semaphore_mem>>)
    %add3A_22 = arith.constant 8 : i32
    %add3A_23 = arith.addi %mul3A_2, %add3A_22 : i32
    %dma_start3A_24 = arith.constant 0 : i32
    %dma_start3A_25 = arith.constant 0 : i32
    %dma_start3A_26 = tpu.memref_slice %arg2[%dma_start3A_24, %add3A_23, %dma_start3A_25] : memref<4x8192x1024xf32, #tpu.memory_space<hbm>> -> memref<4x8x1024xf32, #tpu.memory_space<hbm>>
    %dma_start3A_27 = arith.constant 0 : i32
    %dma_start3A_28 = arith.constant 0 : i32
    %dma_start3A_29 = tpu.memref_slice %arg2[%dma_start3A_27, %add3A_23, %dma_start3A_28] : memref<4x8192x1024xf32, #tpu.memory_space<hbm>> -> memref<4x8x1024xf32, #tpu.memory_space<hbm>>
    tpu.enqueue_dma source(%dma_start3A_29 : memref<4x8x1024xf32, #tpu.memory_space<hbm>>) target(%arg6 : memref<4x8x1024xf32, #tpu.memory_space<vmem>>) target_semaphore(%arg12 : memref<!tpu.dma_semaphore, #tpu.memory_space<semaphore_mem>>)
    %scan3A = arith.constant 0 : i32
    %scan3A_30 = arith.constant 0 : i32
    %scan3A_31 = arith.constant 10 : i32
    %scan3A_32 = arith.addi %scan3A_30, %scan3A_31 : i32
    %scan3A_33 = arith.constant 1 : i32
    scf.for %scan3A_107 = %scan3A_30 to %scan3A_32 step %scan3A_33  : i32 {
      %mul3A_108 = arith.constant 3 : i32
      %mul3A_109 = arith.muli %mul3A_108, %scan3A_107 : i32
      %mul3A_110 = arith.constant 8 : i32
      %mul3A_111 = arith.muli %mul3A_109, %mul3A_110 : i32
      %add3A_112 = arith.addi %mul3A_2, %mul3A_111 : i32
      %dma_wait3A_113 = arith.constant 0 : i32
      %dma_wait3A_114 = tpu.memref_slice %arg3[%add3A_112, %dma_wait3A_113] : memref<8192x1024xf32, #tpu.memory_space<hbm>> -> memref<8x1024xf32, #tpu.memory_space<hbm>>
      %dma_wait3A_115 = arith.constant 0 : i32
      %dma_wait3A_116 = tpu.memref_slice %arg3[%add3A_112, %dma_wait3A_115] : memref<8192x1024xf32, #tpu.memory_space<hbm>> -> memref<8x1024xf32, #tpu.memory_space<hbm>>
      tpu.wait_dma2 semaphore(%arg17 : memref<!tpu.dma_semaphore, #tpu.memory_space<semaphore_mem>>) src(%dma_wait3A_116 : memref<8x1024xf32, #tpu.memory_space<hbm>>) dst(%arg8 : memref<8x1024xf32, #tpu.memory_space<vmem>>)
      %mul3A_117 = arith.constant 8 : i32
      %mul3A_118 = arith.muli %mul3A_109, %mul3A_117 : i32
      %add3A_119 = arith.addi %mul3A_2, %mul3A_118 : i32
      %dma_wait3A_120 = arith.constant 0 : i32
      %dma_wait3A_121 = arith.constant 0 : i32
      %dma_wait3A_122 = tpu.memref_slice %arg2[%dma_wait3A_120, %add3A_119, %dma_wait3A_121] : memref<4x8192x1024xf32, #tpu.memory_space<hbm>> -> memref<4x8x1024xf32, #tpu.memory_space<hbm>>
      %dma_wait3A_123 = arith.constant 0 : i32
      %dma_wait3A_124 = arith.constant 0 : i32
      %dma_wait3A_125 = tpu.memref_slice %arg2[%dma_wait3A_123, %add3A_119, %dma_wait3A_124] : memref<4x8192x1024xf32, #tpu.memory_space<hbm>> -> memref<4x8x1024xf32, #tpu.memory_space<hbm>>
      tpu.wait_dma2 semaphore(%arg11 : memref<!tpu.dma_semaphore, #tpu.memory_space<semaphore_mem>>) src(%dma_wait3A_125 : memref<4x8x1024xf32, #tpu.memory_space<hbm>>) dst(%arg5 : memref<4x8x1024xf32, #tpu.memory_space<vmem>>)
      %parallel_loop3A_126 = arith.constant 0 : i32
      %parallel_loop3A_127 = arith.constant 4 : i32
      %parallel_loop3A_128 = arith.constant 1 : i32
      scf.for %parallel_loop3A_216 = %parallel_loop3A_126 to %parallel_loop3A_127 step %parallel_loop3A_128  : i32 {
        %parallel_loop3A_217 = arith.constant 0 : i32
        %parallel_loop3A_218 = arith.constant 8 : i32
        %parallel_loop3A_219 = arith.constant 1 : i32
        scf.for %parallel_loop3A_220 = %parallel_loop3A_217 to %parallel_loop3A_218 step %parallel_loop3A_219  : i32 {
          %parallel_loop3A_221 = arith.constant 0 : i32
          %parallel_loop3A_222 = arith.constant 1024 : i32
          %parallel_loop3A_223 = arith.constant 16 : i32
          scf.for %parallel_loop3A_224 = %parallel_loop3A_221 to %parallel_loop3A_222 step %parallel_loop3A_223  : i32 {
            %parallel_loop3A_225 = arith.index_cast %parallel_loop3A_220 : i32 to index
            %parallel_loop3A_226 = arith.index_cast %parallel_loop3A_224 : i32 to index
            %parallel_loop3A_227 = tpu.vector_load %arg8[%parallel_loop3A_225, %parallel_loop3A_226] {strides = array<i32>} : memref<8x1024xf32, #tpu.memory_space<vmem>>, vector<1x16xf32>,
            %parallel_loop3A_228 = vector.shape_cast %parallel_loop3A_227 : vector<1x16xf32> to vector<16xf32>
            %parallel_loop3A_229 = arith.index_cast %parallel_loop3A_216 : i32 to index
            %parallel_loop3A_230 = arith.index_cast %parallel_loop3A_220 : i32 to index
            %parallel_loop3A_231 = arith.index_cast %parallel_loop3A_224 : i32 to index
            %parallel_loop3A_232 = tpu.vector_load %arg5[%parallel_loop3A_229, %parallel_loop3A_230, %parallel_loop3A_231] {strides = array<i32>} : memref<4x8x1024xf32, #tpu.memory_space<vmem>>, vector<1x1x16xf32>,
            %parallel_loop3A_233 = vector.shape_cast %parallel_loop3A_232 : vector<1x1x16xf32> to vector<16xf32>
            %parallel_loop3A_234 = vector.shape_cast %parallel_loop3A_228 : vector<16xf32> to vector<1x1x16xf32>
            tpu.vector_store %arg5[%parallel_loop3A_229, %parallel_loop3A_230, %parallel_loop3A_231], %parallel_loop3A_234 {add = true, strides = array<i32>} : memref<4x8x1024xf32, #tpu.memory_space<vmem>>, vector<1x1x16xf32>,
          } {sc.loop_unroll_factor = 16 : i64, sc.parallel_access}
        } {sc.loop_unroll_factor = 1 : i64, sc.parallel_access}
      } {sc.loop_unroll_factor = 1 : i64, sc.parallel_access}
      %mul3A_129 = arith.constant 8 : i32
      %mul3A_130 = arith.muli %mul3A_109, %mul3A_129 : i32
      %add3A_131 = arith.addi %mul3A_2, %mul3A_130 : i32
      %dma_start3A_132 = arith.constant 0 : i32
      %dma_start3A_133 = arith.constant 0 : i32
      %dma_start3A_134 = tpu.memref_slice %arg4[%dma_start3A_132, %add3A_131, %dma_start3A_133] : memref<4x8192x1024xf32, #tpu.memory_space<hbm>> -> memref<4x8x1024xf32, #tpu.memory_space<hbm>>
      %dma_start3A_135 = arith.constant 0 : i32
      %dma_start3A_136 = arith.constant 0 : i32
      %dma_start3A_137 = tpu.memref_slice %arg4[%dma_start3A_135, %add3A_131, %dma_start3A_136] : memref<4x8192x1024xf32, #tpu.memory_space<hbm>> -> memref<4x8x1024xf32, #tpu.memory_space<hbm>>
      tpu.enqueue_dma source(%arg5 : memref<4x8x1024xf32, #tpu.memory_space<vmem>>) target(%dma_start3A_137 : memref<4x8x1024xf32, #tpu.memory_space<hbm>>) target_semaphore(%arg14 : memref<!tpu.dma_semaphore, #tpu.memory_space<semaphore_mem>>)
      %add3A_138 = arith.constant 2 : i32
      %add3A_139 = arith.addi %mul3A_109, %add3A_138 : i32
      %lt3A = arith.constant 32 : i32
      %lt3A_140 = arith.cmpi slt, %add3A_139, %lt3A : i32
      %convert_element_type3A = arith.extui %lt3A_140 : i1 to i32
      %cond3A = arith.constant 0 : i32
      %cond3A_141 = arith.cmpi ne, %convert_element_type3A, %cond3A : i32
      scf.if %cond3A_141 {
        %add3A_216 = arith.constant 2 : i32
        %add3A_217 = arith.addi %mul3A_109, %add3A_216 : i32
        %mul3A_218 = arith.constant 8 : i32
        %mul3A_219 = arith.muli %add3A_217, %mul3A_218 : i32
        %add3A_220 = arith.addi %mul3A_2, %mul3A_219 : i32
        %dma_start3A_221 = arith.constant 0 : i32
        %dma_start3A_222 = tpu.memref_slice %arg3[%add3A_220, %dma_start3A_221] : memref<8192x1024xf32, #tpu.memory_space<hbm>> -> memref<8x1024xf32, #tpu.memory_space<hbm>>
        %dma_start3A_223 = arith.constant 0 : i32
        %dma_start3A_224 = tpu.memref_slice %arg3[%add3A_220, %dma_start3A_223] : memref<8192x1024xf32, #tpu.memory_space<hbm>> -> memref<8x1024xf32, #tpu.memory_space<hbm>>
        tpu.enqueue_dma source(%dma_start3A_224 : memref<8x1024xf32, #tpu.memory_space<hbm>>) target(%arg10 : memref<8x1024xf32, #tpu.memory_space<vmem>>) target_semaphore(%arg19 : memref<!tpu.dma_semaphore, #tpu.memory_space<semaphore_mem>>)
        %gt3A = arith.constant 0 : i32
        %gt3A_225 = arith.cmpi sgt, %mul3A_109, %gt3A : i32
        %convert_element_type3A_226 = arith.extui %gt3A_225 : i1 to i32
        %cond3A_227 = arith.constant 0 : i32
        %cond3A_228 = arith.cmpi ne, %convert_element_type3A_226, %cond3A_227 : i32
        scf.if %cond3A_228 {
          %sub3A = arith.constant 1 : i32
          %sub3A_240 = arith.subi %mul3A_109, %sub3A : i32
          %mul3A_241 = arith.constant 8 : i32
          %mul3A_242 = arith.muli %sub3A_240, %mul3A_241 : i32
          %add3A_243 = arith.addi %mul3A_2, %mul3A_242 : i32
          %dma_wait3A_244 = arith.constant 0 : i32
          %dma_wait3A_245 = arith.constant 0 : i32
          %dma_wait3A_246 = tpu.memref_slice %arg4[%dma_wait3A_244, %add3A_243, %dma_wait3A_245] : memref<4x8192x1024xf32, #tpu.memory_space<hbm>> -> memref<4x8x1024xf32, #tpu.memory_space<hbm>>
          %dma_wait3A_247 = arith.constant 0 : i32
          %dma_wait3A_248 = arith.constant 0 : i32
          %dma_wait3A_249 = tpu.memref_slice %arg4[%dma_wait3A_247, %add3A_243, %dma_wait3A_248] : memref<4x8192x1024xf32, #tpu.memory_space<hbm>> -> memref<4x8x1024xf32, #tpu.memory_space<hbm>>
          tpu.wait_dma2 semaphore(%arg16 : memref<!tpu.dma_semaphore, #tpu.memory_space<semaphore_mem>>) src(%arg7 : memref<4x8x1024xf32, #tpu.memory_space<vmem>>) dst(%dma_wait3A_249 : memref<4x8x1024xf32, #tpu.memory_space<hbm>>)
        } else {
        }
        %add3A_229 = arith.constant 2 : i32
        %add3A_230 = arith.addi %mul3A_109, %add3A_229 : i32
        %mul3A_231 = arith.constant 8 : i32
        %mul3A_232 = arith.muli %add3A_230, %mul3A_231 : i32
        %add3A_233 = arith.addi %mul3A_2, %mul3A_232 : i32
        %dma_start3A_234 = arith.constant 0 : i32
        %dma_start3A_235 = arith.constant 0 : i32
        %dma_start3A_236 = tpu.memref_slice %arg2[%dma_start3A_234, %add3A_233, %dma_start3A_235] : memref<4x8192x1024xf32, #tpu.memory_space<hbm>> -> memref<4x8x1024xf32, #tpu.memory_space<hbm>>
        %dma_start3A_237 = arith.constant 0 : i32
        %dma_start3A_238 = arith.constant 0 : i32
        %dma_start3A_239 = tpu.memref_slice %arg2[%dma_start3A_237, %add3A_233, %dma_start3A_238] : memref<4x8192x1024xf32, #tpu.memory_space<hbm>> -> memref<4x8x1024xf32, #tpu.memory_space<hbm>>
        tpu.enqueue_dma source(%dma_start3A_239 : memref<4x8x1024xf32, #tpu.memory_space<hbm>>) target(%arg7 : memref<4x8x1024xf32, #tpu.memory_space<vmem>>) target_semaphore(%arg13 : memref<!tpu.dma_semaphore, #tpu.memory_space<semaphore_mem>>)
      } else {
      }
      %add3A_142 = arith.constant 1 : i32
      %add3A_143 = arith.addi %mul3A_109, %add3A_142 : i32
      %mul3A_144 = arith.constant 8 : i32
      %mul3A_145 = arith.muli %add3A_143, %mul3A_144 : i32
      %add3A_146 = arith.addi %mul3A_2, %mul3A_145 : i32
      %dma_wait3A_147 = arith.constant 0 : i32
      %dma_wait3A_148 = tpu.memref_slice %arg3[%add3A_146, %dma_wait3A_147] : memref<8192x1024xf32, #tpu.memory_space<hbm>> -> memref<8x1024xf32, #tpu.memory_space<hbm>>
      %dma_wait3A_149 = arith.constant 0 : i32
      %dma_wait3A_150 = tpu.memref_slice %arg3[%add3A_146, %dma_wait3A_149] : memref<8192x1024xf32, #tpu.memory_space<hbm>> -> memref<8x1024xf32, #tpu.memory_space<hbm>>
      tpu.wait_dma2 semaphore(%arg18 : memref<!tpu.dma_semaphore, #tpu.memory_space<semaphore_mem>>) src(%dma_wait3A_150 : memref<8x1024xf32, #tpu.memory_space<hbm>>) dst(%arg9 : memref<8x1024xf32, #tpu.memory_space<vmem>>)
      %mul3A_151 = arith.constant 8 : i32
      %mul3A_152 = arith.muli %add3A_143, %mul3A_151 : i32
      %add3A_153 = arith.addi %mul3A_2, %mul3A_152 : i32
      %dma_wait3A_154 = arith.constant 0 : i32
      %dma_wait3A_155 = arith.constant 0 : i32
      %dma_wait3A_156 = tpu.memref_slice %arg2[%dma_wait3A_154, %add3A_153, %dma_wait3A_155] : memref<4x8192x1024xf32, #tpu.memory_space<hbm>> -> memref<4x8x1024xf32, #tpu.memory_space<hbm>>
      %dma_wait3A_157 = arith.constant 0 : i32
      %dma_wait3A_158 = arith.constant 0 : i32
      %dma_wait3A_159 = tpu.memref_slice %arg2[%dma_wait3A_157, %add3A_153, %dma_wait3A_158] : memref<4x8192x1024xf32, #tpu.memory_space<hbm>> -> memref<4x8x1024xf32, #tpu.memory_space<hbm>>
      tpu.wait_dma2 semaphore(%arg12 : memref<!tpu.dma_semaphore, #tpu.memory_space<semaphore_mem>>) src(%dma_wait3A_159 : memref<4x8x1024xf32, #tpu.memory_space<hbm>>) dst(%arg6 : memref<4x8x1024xf32, #tpu.memory_space<vmem>>)
      %parallel_loop3A_160 = arith.constant 0 : i32
      %parallel_loop3A_161 = arith.constant 4 : i32
      %parallel_loop3A_162 = arith.constant 1 : i32
      scf.for %parallel_loop3A_216 = %parallel_loop3A_160 to %parallel_loop3A_161 step %parallel_loop3A_162  : i32 {
        %parallel_loop3A_217 = arith.constant 0 : i32
        %parallel_loop3A_218 = arith.constant 8 : i32
        %parallel_loop3A_219 = arith.constant 1 : i32
        scf.for %parallel_loop3A_220 = %parallel_loop3A_217 to %parallel_loop3A_218 step %parallel_loop3A_219  : i32 {
          %parallel_loop3A_221 = arith.constant 0 : i32
          %parallel_loop3A_222 = arith.constant 1024 : i32
          %parallel_loop3A_223 = arith.constant 16 : i32
          scf.for %parallel_loop3A_224 = %parallel_loop3A_221 to %parallel_loop3A_222 step %parallel_loop3A_223  : i32 {
            %parallel_loop3A_225 = arith.index_cast %parallel_loop3A_220 : i32 to index
            %parallel_loop3A_226 = arith.index_cast %parallel_loop3A_224 : i32 to index
            %parallel_loop3A_227 = tpu.vector_load %arg9[%parallel_loop3A_225, %parallel_loop3A_226] {strides = array<i32>} : memref<8x1024xf32, #tpu.memory_space<vmem>>, vector<1x16xf32>,
            %parallel_loop3A_228 = vector.shape_cast %parallel_loop3A_227 : vector<1x16xf32> to vector<16xf32>
            %parallel_loop3A_229 = arith.index_cast %parallel_loop3A_216 : i32 to index
            %parallel_loop3A_230 = arith.index_cast %parallel_loop3A_220 : i32 to index
            %parallel_loop3A_231 = arith.index_cast %parallel_loop3A_224 : i32 to index
            %parallel_loop3A_232 = tpu.vector_load %arg6[%parallel_loop3A_229, %parallel_loop3A_230, %parallel_loop3A_231] {strides = array<i32>} : memref<4x8x1024xf32, #tpu.memory_space<vmem>>, vector<1x1x16xf32>,
            %parallel_loop3A_233 = vector.shape_cast %parallel_loop3A_232 : vector<1x1x16xf32> to vector<16xf32>
            %parallel_loop3A_234 = vector.shape_cast %parallel_loop3A_228 : vector<16xf32> to vector<1x1x16xf32>
            tpu.vector_store %arg6[%parallel_loop3A_229, %parallel_loop3A_230, %parallel_loop3A_231], %parallel_loop3A_234 {add = true, strides = array<i32>} : memref<4x8x1024xf32, #tpu.memory_space<vmem>>, vector<1x1x16xf32>,
          } {sc.loop_unroll_factor = 16 : i64, sc.parallel_access}
        } {sc.loop_unroll_factor = 1 : i64, sc.parallel_access}
      } {sc.loop_unroll_factor = 1 : i64, sc.parallel_access}
      %mul3A_163 = arith.constant 8 : i32
      %mul3A_164 = arith.muli %add3A_143, %mul3A_163 : i32
      %add3A_165 = arith.addi %mul3A_2, %mul3A_164 : i32
      %dma_start3A_166 = arith.constant 0 : i32
      %dma_start3A_167 = arith.constant 0 : i32
      %dma_start3A_168 = tpu.memref_slice %arg4[%dma_start3A_166, %add3A_165, %dma_start3A_167] : memref<4x8192x1024xf32, #tpu.memory_space<hbm>> -> memref<4x8x1024xf32, #tpu.memory_space<hbm>>
      %dma_start3A_169 = arith.constant 0 : i32
      %dma_start3A_170 = arith.constant 0 : i32
      %dma_start3A_171 = tpu.memref_slice %arg4[%dma_start3A_169, %add3A_165, %dma_start3A_170] : memref<4x8192x1024xf32, #tpu.memory_space<hbm>> -> memref<4x8x1024xf32, #tpu.memory_space<hbm>>
      tpu.enqueue_dma source(%arg6 : memref<4x8x1024xf32, #tpu.memory_space<vmem>>) target(%dma_start3A_171 : memref<4x8x1024xf32, #tpu.memory_space<hbm>>) target_semaphore(%arg15 : memref<!tpu.dma_semaphore, #tpu.memory_space<semaphore_mem>>)
      %add3A_172 = arith.constant 2 : i32
      %add3A_173 = arith.addi %add3A_143, %add3A_172 : i32
      %lt3A_174 = arith.constant 32 : i32
      %lt3A_175 = arith.cmpi slt, %add3A_173, %lt3A_174 : i32
      %convert_element_type3A_176 = arith.extui %lt3A_175 : i1 to i32
      %cond3A_177 = arith.constant 0 : i32
      %cond3A_178 = arith.cmpi ne, %convert_element_type3A_176, %cond3A_177 : i32
      scf.if %cond3A_178 {
        %add3A_216 = arith.constant 2 : i32
        %add3A_217 = arith.addi %add3A_143, %add3A_216 : i32
        %mul3A_218 = arith.constant 8 : i32
        %mul3A_219 = arith.muli %add3A_217, %mul3A_218 : i32
        %add3A_220 = arith.addi %mul3A_2, %mul3A_219 : i32
        %dma_start3A_221 = arith.constant 0 : i32
        %dma_start3A_222 = tpu.memref_slice %arg3[%add3A_220, %dma_start3A_221] : memref<8192x1024xf32, #tpu.memory_space<hbm>> -> memref<8x1024xf32, #tpu.memory_space<hbm>>
        %dma_start3A_223 = arith.constant 0 : i32
        %dma_start3A_224 = tpu.memref_slice %arg3[%add3A_220, %dma_start3A_223] : memref<8192x1024xf32, #tpu.memory_space<hbm>> -> memref<8x1024xf32, #tpu.memory_space<hbm>>
        tpu.enqueue_dma source(%dma_start3A_224 : memref<8x1024xf32, #tpu.memory_space<hbm>>) target(%arg8 : memref<8x1024xf32, #tpu.memory_space<vmem>>) target_semaphore(%arg17 : memref<!tpu.dma_semaphore, #tpu.memory_space<semaphore_mem>>)
        %gt3A = arith.constant 0 : i32
        %gt3A_225 = arith.cmpi sgt, %add3A_143, %gt3A : i32
        %convert_element_type3A_226 = arith.extui %gt3A_225 : i1 to i32
        %cond3A_227 = arith.constant 0 : i32
        %cond3A_228 = arith.cmpi ne, %convert_element_type3A_226, %cond3A_227 : i32
        scf.if %cond3A_228 {
          %sub3A = arith.constant 1 : i32
          %sub3A_240 = arith.subi %add3A_143, %sub3A : i32
          %mul3A_241 = arith.constant 8 : i32
          %mul3A_242 = arith.muli %sub3A_240, %mul3A_241 : i32
          %add3A_243 = arith.addi %mul3A_2, %mul3A_242 : i32
          %dma_wait3A_244 = arith.constant 0 : i32
          %dma_wait3A_245 = arith.constant 0 : i32
          %dma_wait3A_246 = tpu.memref_slice %arg4[%dma_wait3A_244, %add3A_243, %dma_wait3A_245] : memref<4x8192x1024xf32, #tpu.memory_space<hbm>> -> memref<4x8x1024xf32, #tpu.memory_space<hbm>>
          %dma_wait3A_247 = arith.constant 0 : i32
          %dma_wait3A_248 = arith.constant 0 : i32
          %dma_wait3A_249 = tpu.memref_slice %arg4[%dma_wait3A_247, %add3A_243, %dma_wait3A_248] : memref<4x8192x1024xf32, #tpu.memory_space<hbm>> -> memref<4x8x1024xf32, #tpu.memory_space<hbm>>
          tpu.wait_dma2 semaphore(%arg14 : memref<!tpu.dma_semaphore, #tpu.memory_space<semaphore_mem>>) src(%arg5 : memref<4x8x1024xf32, #tpu.memory_space<vmem>>) dst(%dma_wait3A_249 : memref<4x8x1024xf32, #tpu.memory_space<hbm>>)
        } else {
        }
        %add3A_229 = arith.constant 2 : i32
        %add3A_230 = arith.addi %add3A_143, %add3A_229 : i32
        %mul3A_231 = arith.constant 8 : i32
        %mul3A_232 = arith.muli %add3A_230, %mul3A_231 : i32
        %add3A_233 = arith.addi %mul3A_2, %mul3A_232 : i32
        %dma_start3A_234 = arith.constant 0 : i32
        %dma_start3A_235 = arith.constant 0 : i32
        %dma_start3A_236 = tpu.memref_slice %arg2[%dma_start3A_234, %add3A_233, %dma_start3A_235] : memref<4x8192x1024xf32, #tpu.memory_space<hbm>> -> memref<4x8x1024xf32, #tpu.memory_space<hbm>>
        %dma_start3A_237 = arith.constant 0 : i32
        %dma_start3A_238 = arith.constant 0 : i32
        %dma_start3A_239 = tpu.memref_slice %arg2[%dma_start3A_237, %add3A_233, %dma_start3A_238] : memref<4x8192x1024xf32, #tpu.memory_space<hbm>> -> memref<4x8x1024xf32, #tpu.memory_space<hbm>>
        tpu.enqueue_dma source(%dma_start3A_239 : memref<4x8x1024xf32, #tpu.memory_space<hbm>>) target(%arg5 : memref<4x8x1024xf32, #tpu.memory_space<vmem>>) target_semaphore(%arg11 : memref<!tpu.dma_semaphore, #tpu.memory_space<semaphore_mem>>)
      } else {
      }
      %add3A_179 = arith.constant 2 : i32
      %add3A_180 = arith.addi %mul3A_109, %add3A_179 : i32
      %mul3A_181 = arith.constant 8 : i32
      %mul3A_182 = arith.muli %add3A_180, %mul3A_181 : i32
      %add3A_183 = arith.addi %mul3A_2, %mul3A_182 : i32
      %dma_wait3A_184 = arith.constant 0 : i32
      %dma_wait3A_185 = tpu.memref_slice %arg3[%add3A_183, %dma_wait3A_184] : memref<8192x1024xf32, #tpu.memory_space<hbm>> -> memref<8x1024xf32, #tpu.memory_space<hbm>>
      %dma_wait3A_186 = arith.constant 0 : i32
      %dma_wait3A_187 = tpu.memref_slice %arg3[%add3A_183, %dma_wait3A_186] : memref<8192x1024xf32, #tpu.memory_space<hbm>> -> memref<8x1024xf32, #tpu.memory_space<hbm>>
      tpu.wait_dma2 semaphore(%arg19 : memref<!tpu.dma_semaphore, #tpu.memory_space<semaphore_mem>>) src(%dma_wait3A_187 : memref<8x1024xf32, #tpu.memory_space<hbm>>) dst(%arg10 : memref<8x1024xf32, #tpu.memory_space<vmem>>)
      %mul3A_188 = arith.constant 8 : i32
      %mul3A_189 = arith.muli %add3A_180, %mul3A_188 : i32
      %add3A_190 = arith.addi %mul3A_2, %mul3A_189 : i32
      %dma_wait3A_191 = arith.constant 0 : i32
      %dma_wait3A_192 = arith.constant 0 : i32
      %dma_wait3A_193 = tpu.memref_slice %arg2[%dma_wait3A_191, %add3A_190, %dma_wait3A_192] : memref<4x8192x1024xf32, #tpu.memory_space<hbm>> -> memref<4x8x1024xf32, #tpu.memory_space<hbm>>
      %dma_wait3A_194 = arith.constant 0 : i32
      %dma_wait3A_195 = arith.constant 0 : i32
      %dma_wait3A_196 = tpu.memref_slice %arg2[%dma_wait3A_194, %add3A_190, %dma_wait3A_195] : memref<4x8192x1024xf32, #tpu.memory_space<hbm>> -> memref<4x8x1024xf32, #tpu.memory_space<hbm>>
      tpu.wait_dma2 semaphore(%arg13 : memref<!tpu.dma_semaphore, #tpu.memory_space<semaphore_mem>>) src(%dma_wait3A_196 : memref<4x8x1024xf32, #tpu.memory_space<hbm>>) dst(%arg7 : memref<4x8x1024xf32, #tpu.memory_space<vmem>>)
      %parallel_loop3A_197 = arith.constant 0 : i32
      %parallel_loop3A_198 = arith.constant 4 : i32
      %parallel_loop3A_199 = arith.constant 1 : i32
      scf.for %parallel_loop3A_216 = %parallel_loop3A_197 to %parallel_loop3A_198 step %parallel_loop3A_199  : i32 {
        %parallel_loop3A_217 = arith.constant 0 : i32
        %parallel_loop3A_218 = arith.constant 8 : i32
        %parallel_loop3A_219 = arith.constant 1 : i32
        scf.for %parallel_loop3A_220 = %parallel_loop3A_217 to %parallel_loop3A_218 step %parallel_loop3A_219  : i32 {
          %parallel_loop3A_221 = arith.constant 0 : i32
          %parallel_loop3A_222 = arith.constant 1024 : i32
          %parallel_loop3A_223 = arith.constant 16 : i32
          scf.for %parallel_loop3A_224 = %parallel_loop3A_221 to %parallel_loop3A_222 step %parallel_loop3A_223  : i32 {
            %parallel_loop3A_225 = arith.index_cast %parallel_loop3A_220 : i32 to index
            %parallel_loop3A_226 = arith.index_cast %parallel_loop3A_224 : i32 to index
            %parallel_loop3A_227 = tpu.vector_load %arg10[%parallel_loop3A_225, %parallel_loop3A_226] {strides = array<i32>} : memref<8x1024xf32, #tpu.memory_space<vmem>>, vector<1x16xf32>,
            %parallel_loop3A_228 = vector.shape_cast %parallel_loop3A_227 : vector<1x16xf32> to vector<16xf32>
            %parallel_loop3A_229 = arith.index_cast %parallel_loop3A_216 : i32 to index
            %parallel_loop3A_230 = arith.index_cast %parallel_loop3A_220 : i32 to index
            %parallel_loop3A_231 = arith.index_cast %parallel_loop3A_224 : i32 to index
            %parallel_loop3A_232 = tpu.vector_load %arg7[%parallel_loop3A_229, %parallel_loop3A_230, %parallel_loop3A_231] {strides = array<i32>} : memref<4x8x1024xf32, #tpu.memory_space<vmem>>, vector<1x1x16xf32>,
            %parallel_loop3A_233 = vector.shape_cast %parallel_loop3A_232 : vector<1x1x16xf32> to vector<16xf32>
            %parallel_loop3A_234 = vector.shape_cast %parallel_loop3A_228 : vector<16xf32> to vector<1x1x16xf32>
            tpu.vector_store %arg7[%parallel_loop3A_229, %parallel_loop3A_230, %parallel_loop3A_231], %parallel_loop3A_234 {add = true, strides = array<i32>} : memref<4x8x1024xf32, #tpu.memory_space<vmem>>, vector<1x1x16xf32>,
          } {sc.loop_unroll_factor = 16 : i64, sc.parallel_access}
        } {sc.loop_unroll_factor = 1 : i64, sc.parallel_access}
      } {sc.loop_unroll_factor = 1 : i64, sc.parallel_access}
      %mul3A_200 = arith.constant 8 : i32
      %mul3A_201 = arith.muli %add3A_180, %mul3A_200 : i32
      %add3A_202 = arith.addi %mul3A_2, %mul3A_201 : i32
      %dma_start3A_203 = arith.constant 0 : i32
      %dma_start3A_204 = arith.constant 0 : i32
      %dma_start3A_205 = tpu.memref_slice %arg4[%dma_start3A_203, %add3A_202, %dma_start3A_204] : memref<4x8192x1024xf32, #tpu.memory_space<hbm>> -> memref<4x8x1024xf32, #tpu.memory_space<hbm>>
      %dma_start3A_206 = arith.constant 0 : i32
      %dma_start3A_207 = arith.constant 0 : i32
      %dma_start3A_208 = tpu.memref_slice %arg4[%dma_start3A_206, %add3A_202, %dma_start3A_207] : memref<4x8192x1024xf32, #tpu.memory_space<hbm>> -> memref<4x8x1024xf32, #tpu.memory_space<hbm>>
      tpu.enqueue_dma source(%arg7 : memref<4x8x1024xf32, #tpu.memory_space<vmem>>) target(%dma_start3A_208 : memref<4x8x1024xf32, #tpu.memory_space<hbm>>) target_semaphore(%arg16 : memref<!tpu.dma_semaphore, #tpu.memory_space<semaphore_mem>>)
      %add3A_209 = arith.constant 2 : i32
      %add3A_210 = arith.addi %add3A_180, %add3A_209 : i32
      %lt3A_211 = arith.constant 32 : i32
      %lt3A_212 = arith.cmpi slt, %add3A_210, %lt3A_211 : i32
      %convert_element_type3A_213 = arith.extui %lt3A_212 : i1 to i32
      %cond3A_214 = arith.constant 0 : i32
      %cond3A_215 = arith.cmpi ne, %convert_element_type3A_213, %cond3A_214 : i32
      scf.if %cond3A_215 {
        %add3A_216 = arith.constant 2 : i32
        %add3A_217 = arith.addi %add3A_180, %add3A_216 : i32
        %mul3A_218 = arith.constant 8 : i32
        %mul3A_219 = arith.muli %add3A_217, %mul3A_218 : i32
        %add3A_220 = arith.addi %mul3A_2, %mul3A_219 : i32
        %dma_start3A_221 = arith.constant 0 : i32
        %dma_start3A_222 = tpu.memref_slice %arg3[%add3A_220, %dma_start3A_221] : memref<8192x1024xf32, #tpu.memory_space<hbm>> -> memref<8x1024xf32, #tpu.memory_space<hbm>>
        %dma_start3A_223 = arith.constant 0 : i32
        %dma_start3A_224 = tpu.memref_slice %arg3[%add3A_220, %dma_start3A_223] : memref<8192x1024xf32, #tpu.memory_space<hbm>> -> memref<8x1024xf32, #tpu.memory_space<hbm>>
        tpu.enqueue_dma source(%dma_start3A_224 : memref<8x1024xf32, #tpu.memory_space<hbm>>) target(%arg9 : memref<8x1024xf32, #tpu.memory_space<vmem>>) target_semaphore(%arg18 : memref<!tpu.dma_semaphore, #tpu.memory_space<semaphore_mem>>)
        %gt3A = arith.constant 0 : i32
        %gt3A_225 = arith.cmpi sgt, %add3A_180, %gt3A : i32
        %convert_element_type3A_226 = arith.extui %gt3A_225 : i1 to i32
        %cond3A_227 = arith.constant 0 : i32
        %cond3A_228 = arith.cmpi ne, %convert_element_type3A_226, %cond3A_227 : i32
        scf.if %cond3A_228 {
          %sub3A = arith.constant 1 : i32
          %sub3A_240 = arith.subi %add3A_180, %sub3A : i32
          %mul3A_241 = arith.constant 8 : i32
          %mul3A_242 = arith.muli %sub3A_240, %mul3A_241 : i32
          %add3A_243 = arith.addi %mul3A_2, %mul3A_242 : i32
          %dma_wait3A_244 = arith.constant 0 : i32
          %dma_wait3A_245 = arith.constant 0 : i32
          %dma_wait3A_246 = tpu.memref_slice %arg4[%dma_wait3A_244, %add3A_243, %dma_wait3A_245] : memref<4x8192x1024xf32, #tpu.memory_space<hbm>> -> memref<4x8x1024xf32, #tpu.memory_space<hbm>>
          %dma_wait3A_247 = arith.constant 0 : i32
          %dma_wait3A_248 = arith.constant 0 : i32
          %dma_wait3A_249 = tpu.memref_slice %arg4[%dma_wait3A_247, %add3A_243, %dma_wait3A_248] : memref<4x8192x1024xf32, #tpu.memory_space<hbm>> -> memref<4x8x1024xf32, #tpu.memory_space<hbm>>
          tpu.wait_dma2 semaphore(%arg15 : memref<!tpu.dma_semaphore, #tpu.memory_space<semaphore_mem>>) src(%arg6 : memref<4x8x1024xf32, #tpu.memory_space<vmem>>) dst(%dma_wait3A_249 : memref<4x8x1024xf32, #tpu.memory_space<hbm>>)
        } else {
        }
        %add3A_229 = arith.constant 2 : i32
        %add3A_230 = arith.addi %add3A_180, %add3A_229 : i32
        %mul3A_231 = arith.constant 8 : i32
        %mul3A_232 = arith.muli %add3A_230, %mul3A_231 : i32
        %add3A_233 = arith.addi %mul3A_2, %mul3A_232 : i32
        %dma_start3A_234 = arith.constant 0 : i32
        %dma_start3A_235 = arith.constant 0 : i32
        %dma_start3A_236 = tpu.memref_slice %arg2[%dma_start3A_234, %add3A_233, %dma_start3A_235] : memref<4x8192x1024xf32, #tpu.memory_space<hbm>> -> memref<4x8x1024xf32, #tpu.memory_space<hbm>>
        %dma_start3A_237 = arith.constant 0 : i32
        %dma_start3A_238 = arith.constant 0 : i32
        %dma_start3A_239 = tpu.memref_slice %arg2[%dma_start3A_237, %add3A_233, %dma_start3A_238] : memref<4x8192x1024xf32, #tpu.memory_space<hbm>> -> memref<4x8x1024xf32, #tpu.memory_space<hbm>>
        tpu.enqueue_dma source(%dma_start3A_239 : memref<4x8x1024xf32, #tpu.memory_space<hbm>>) target(%arg6 : memref<4x8x1024xf32, #tpu.memory_space<vmem>>) target_semaphore(%arg12 : memref<!tpu.dma_semaphore, #tpu.memory_space<semaphore_mem>>)
      } else {
      }
    }
    %scan3A_34 = arith.constant 10 : i32
    %add3A_35 = arith.constant 240 : i32
    %add3A_36 = arith.addi %mul3A_2, %add3A_35 : i32
    %dma_wait3A = arith.constant 0 : i32
    %dma_wait3A_37 = tpu.memref_slice %arg3[%add3A_36, %dma_wait3A] : memref<8192x1024xf32, #tpu.memory_space<hbm>> -> memref<8x1024xf32, #tpu.memory_space<hbm>>
    %dma_wait3A_38 = arith.constant 0 : i32
    %dma_wait3A_39 = tpu.memref_slice %arg3[%add3A_36, %dma_wait3A_38] : memref<8192x1024xf32, #tpu.memory_space<hbm>> -> memref<8x1024xf32, #tpu.memory_space<hbm>>
    tpu.wait_dma2 semaphore(%arg17 : memref<!tpu.dma_semaphore, #tpu.memory_space<semaphore_mem>>) src(%dma_wait3A_39 : memref<8x1024xf32, #tpu.memory_space<hbm>>) dst(%arg8 : memref<8x1024xf32, #tpu.memory_space<vmem>>)
    %add3A_40 = arith.constant 240 : i32
    %add3A_41 = arith.addi %mul3A_2, %add3A_40 : i32
    %dma_wait3A_42 = arith.constant 0 : i32
    %dma_wait3A_43 = arith.constant 0 : i32
    %dma_wait3A_44 = tpu.memref_slice %arg2[%dma_wait3A_42, %add3A_41, %dma_wait3A_43] : memref<4x8192x1024xf32, #tpu.memory_space<hbm>> -> memref<4x8x1024xf32, #tpu.memory_space<hbm>>
    %dma_wait3A_45 = arith.constant 0 : i32
    %dma_wait3A_46 = arith.constant 0 : i32
    %dma_wait3A_47 = tpu.memref_slice %arg2[%dma_wait3A_45, %add3A_41, %dma_wait3A_46] : memref<4x8192x1024xf32, #tpu.memory_space<hbm>> -> memref<4x8x1024xf32, #tpu.memory_space<hbm>>
    tpu.wait_dma2 semaphore(%arg11 : memref<!tpu.dma_semaphore, #tpu.memory_space<semaphore_mem>>) src(%dma_wait3A_47 : memref<4x8x1024xf32, #tpu.memory_space<hbm>>) dst(%arg5 : memref<4x8x1024xf32, #tpu.memory_space<vmem>>)
    %parallel_loop3A = arith.constant 0 : i32
    %parallel_loop3A_48 = arith.constant 4 : i32
    %parallel_loop3A_49 = arith.constant 1 : i32
    scf.for %parallel_loop3A_107 = %parallel_loop3A to %parallel_loop3A_48 step %parallel_loop3A_49  : i32 {
      %parallel_loop3A_108 = arith.constant 0 : i32
      %parallel_loop3A_109 = arith.constant 8 : i32
      %parallel_loop3A_110 = arith.constant 1 : i32
      scf.for %parallel_loop3A_111 = %parallel_loop3A_108 to %parallel_loop3A_109 step %parallel_loop3A_110  : i32 {
        %parallel_loop3A_112 = arith.constant 0 : i32
        %parallel_loop3A_113 = arith.constant 1024 : i32
        %parallel_loop3A_114 = arith.constant 16 : i32
        scf.for %parallel_loop3A_115 = %parallel_loop3A_112 to %parallel_loop3A_113 step %parallel_loop3A_114  : i32 {
          %parallel_loop3A_116 = arith.index_cast %parallel_loop3A_111 : i32 to index
          %parallel_loop3A_117 = arith.index_cast %parallel_loop3A_115 : i32 to index
          %parallel_loop3A_118 = tpu.vector_load %arg8[%parallel_loop3A_116, %parallel_loop3A_117] {strides = array<i32>} : memref<8x1024xf32, #tpu.memory_space<vmem>>, vector<1x16xf32>,
          %parallel_loop3A_119 = vector.shape_cast %parallel_loop3A_118 : vector<1x16xf32> to vector<16xf32>
          %parallel_loop3A_120 = arith.index_cast %parallel_loop3A_107 : i32 to index
          %parallel_loop3A_121 = arith.index_cast %parallel_loop3A_111 : i32 to index
          %parallel_loop3A_122 = arith.index_cast %parallel_loop3A_115 : i32 to index
          %parallel_loop3A_123 = tpu.vector_load %arg5[%parallel_loop3A_120, %parallel_loop3A_121, %parallel_loop3A_122] {strides = array<i32>} : memref<4x8x1024xf32, #tpu.memory_space<vmem>>, vector<1x1x16xf32>,
          %parallel_loop3A_124 = vector.shape_cast %parallel_loop3A_123 : vector<1x1x16xf32> to vector<16xf32>
          %parallel_loop3A_125 = vector.shape_cast %parallel_loop3A_119 : vector<16xf32> to vector<1x1x16xf32>
          tpu.vector_store %arg5[%parallel_loop3A_120, %parallel_loop3A_121, %parallel_loop3A_122], %parallel_loop3A_125 {add = true, strides = array<i32>} : memref<4x8x1024xf32, #tpu.memory_space<vmem>>, vector<1x1x16xf32>,
        } {sc.loop_unroll_factor = 16 : i64, sc.parallel_access}
      } {sc.loop_unroll_factor = 1 : i64, sc.parallel_access}
    } {sc.loop_unroll_factor = 1 : i64, sc.parallel_access}
    %add3A_50 = arith.constant 240 : i32
    %add3A_51 = arith.addi %mul3A_2, %add3A_50 : i32
    %dma_start3A_52 = arith.constant 0 : i32
    %dma_start3A_53 = arith.constant 0 : i32
    %dma_start3A_54 = tpu.memref_slice %arg4[%dma_start3A_52, %add3A_51, %dma_start3A_53] : memref<4x8192x1024xf32, #tpu.memory_space<hbm>> -> memref<4x8x1024xf32, #tpu.memory_space<hbm>>
    %dma_start3A_55 = arith.constant 0 : i32
    %dma_start3A_56 = arith.constant 0 : i32
    %dma_start3A_57 = tpu.memref_slice %arg4[%dma_start3A_55, %add3A_51, %dma_start3A_56] : memref<4x8192x1024xf32, #tpu.memory_space<hbm>> -> memref<4x8x1024xf32, #tpu.memory_space<hbm>>
    tpu.enqueue_dma source(%arg5 : memref<4x8x1024xf32, #tpu.memory_space<vmem>>) target(%dma_start3A_57 : memref<4x8x1024xf32, #tpu.memory_space<hbm>>) target_semaphore(%arg14 : memref<!tpu.dma_semaphore, #tpu.memory_space<semaphore_mem>>)
    %add3A_58 = arith.constant 248 : i32
    %add3A_59 = arith.addi %mul3A_2, %add3A_58 : i32
    %dma_wait3A_60 = arith.constant 0 : i32
    %dma_wait3A_61 = tpu.memref_slice %arg3[%add3A_59, %dma_wait3A_60] : memref<8192x1024xf32, #tpu.memory_space<hbm>> -> memref<8x1024xf32, #tpu.memory_space<hbm>>
    %dma_wait3A_62 = arith.constant 0 : i32
    %dma_wait3A_63 = tpu.memref_slice %arg3[%add3A_59, %dma_wait3A_62] : memref<8192x1024xf32, #tpu.memory_space<hbm>> -> memref<8x1024xf32, #tpu.memory_space<hbm>>
    tpu.wait_dma2 semaphore(%arg18 : memref<!tpu.dma_semaphore, #tpu.memory_space<semaphore_mem>>) src(%dma_wait3A_63 : memref<8x1024xf32, #tpu.memory_space<hbm>>) dst(%arg9 : memref<8x1024xf32, #tpu.memory_space<vmem>>)
    %add3A_64 = arith.constant 248 : i32
    %add3A_65 = arith.addi %mul3A_2, %add3A_64 : i32
    %dma_wait3A_66 = arith.constant 0 : i32
    %dma_wait3A_67 = arith.constant 0 : i32
    %dma_wait3A_68 = tpu.memref_slice %arg2[%dma_wait3A_66, %add3A_65, %dma_wait3A_67] : memref<4x8192x1024xf32, #tpu.memory_space<hbm>> -> memref<4x8x1024xf32, #tpu.memory_space<hbm>>
    %dma_wait3A_69 = arith.constant 0 : i32
    %dma_wait3A_70 = arith.constant 0 : i32
    %dma_wait3A_71 = tpu.memref_slice %arg2[%dma_wait3A_69, %add3A_65, %dma_wait3A_70] : memref<4x8192x1024xf32, #tpu.memory_space<hbm>> -> memref<4x8x1024xf32, #tpu.memory_space<hbm>>
    tpu.wait_dma2 semaphore(%arg12 : memref<!tpu.dma_semaphore, #tpu.memory_space<semaphore_mem>>) src(%dma_wait3A_71 : memref<4x8x1024xf32, #tpu.memory_space<hbm>>) dst(%arg6 : memref<4x8x1024xf32, #tpu.memory_space<vmem>>)
    %parallel_loop3A_72 = arith.constant 0 : i32
    %parallel_loop3A_73 = arith.constant 4 : i32
    %parallel_loop3A_74 = arith.constant 1 : i32
    scf.for %parallel_loop3A_107 = %parallel_loop3A_72 to %parallel_loop3A_73 step %parallel_loop3A_74  : i32 {
      %parallel_loop3A_108 = arith.constant 0 : i32
      %parallel_loop3A_109 = arith.constant 8 : i32
      %parallel_loop3A_110 = arith.constant 1 : i32
      scf.for %parallel_loop3A_111 = %parallel_loop3A_108 to %parallel_loop3A_109 step %parallel_loop3A_110  : i32 {
        %parallel_loop3A_112 = arith.constant 0 : i32
        %parallel_loop3A_113 = arith.constant 1024 : i32
        %parallel_loop3A_114 = arith.constant 16 : i32
        scf.for %parallel_loop3A_115 = %parallel_loop3A_112 to %parallel_loop3A_113 step %parallel_loop3A_114  : i32 {
          %parallel_loop3A_116 = arith.index_cast %parallel_loop3A_111 : i32 to index
          %parallel_loop3A_117 = arith.index_cast %parallel_loop3A_115 : i32 to index
          %parallel_loop3A_118 = tpu.vector_load %arg9[%parallel_loop3A_116, %parallel_loop3A_117] {strides = array<i32>} : memref<8x1024xf32, #tpu.memory_space<vmem>>, vector<1x16xf32>,
          %parallel_loop3A_119 = vector.shape_cast %parallel_loop3A_118 : vector<1x16xf32> to vector<16xf32>
          %parallel_loop3A_120 = arith.index_cast %parallel_loop3A_107 : i32 to index
          %parallel_loop3A_121 = arith.index_cast %parallel_loop3A_111 : i32 to index
          %parallel_loop3A_122 = arith.index_cast %parallel_loop3A_115 : i32 to index
          %parallel_loop3A_123 = tpu.vector_load %arg6[%parallel_loop3A_120, %parallel_loop3A_121, %parallel_loop3A_122] {strides = array<i32>} : memref<4x8x1024xf32, #tpu.memory_space<vmem>>, vector<1x1x16xf32>,
          %parallel_loop3A_124 = vector.shape_cast %parallel_loop3A_123 : vector<1x1x16xf32> to vector<16xf32>
          %parallel_loop3A_125 = vector.shape_cast %parallel_loop3A_119 : vector<16xf32> to vector<1x1x16xf32>
          tpu.vector_store %arg6[%parallel_loop3A_120, %parallel_loop3A_121, %parallel_loop3A_122], %parallel_loop3A_125 {add = true, strides = array<i32>} : memref<4x8x1024xf32, #tpu.memory_space<vmem>>, vector<1x1x16xf32>,
        } {sc.loop_unroll_factor = 16 : i64, sc.parallel_access}
      } {sc.loop_unroll_factor = 1 : i64, sc.parallel_access}
    } {sc.loop_unroll_factor = 1 : i64, sc.parallel_access}
    %add3A_75 = arith.constant 248 : i32
    %add3A_76 = arith.addi %mul3A_2, %add3A_75 : i32
    %dma_start3A_77 = arith.constant 0 : i32
    %dma_start3A_78 = arith.constant 0 : i32
    %dma_start3A_79 = tpu.memref_slice %arg4[%dma_start3A_77, %add3A_76, %dma_start3A_78] : memref<4x8192x1024xf32, #tpu.memory_space<hbm>> -> memref<4x8x1024xf32, #tpu.memory_space<hbm>>
    %dma_start3A_80 = arith.constant 0 : i32
    %dma_start3A_81 = arith.constant 0 : i32
    %dma_start3A_82 = tpu.memref_slice %arg4[%dma_start3A_80, %add3A_76, %dma_start3A_81] : memref<4x8192x1024xf32, #tpu.memory_space<hbm>> -> memref<4x8x1024xf32, #tpu.memory_space<hbm>>
    tpu.enqueue_dma source(%arg6 : memref<4x8x1024xf32, #tpu.memory_space<vmem>>) target(%dma_start3A_82 : memref<4x8x1024xf32, #tpu.memory_space<hbm>>) target_semaphore(%arg15 : memref<!tpu.dma_semaphore, #tpu.memory_space<semaphore_mem>>)
    %add3A_83 = arith.constant 232 : i32
    %add3A_84 = arith.addi %mul3A_2, %add3A_83 : i32
    %dma_wait3A_85 = arith.constant 0 : i32
    %dma_wait3A_86 = arith.constant 0 : i32
    %dma_wait3A_87 = tpu.memref_slice %arg4[%dma_wait3A_85, %add3A_84, %dma_wait3A_86] : memref<4x8192x1024xf32, #tpu.memory_space<hbm>> -> memref<4x8x1024xf32, #tpu.memory_space<hbm>>
    %dma_wait3A_88 = arith.constant 0 : i32
    %dma_wait3A_89 = arith.constant 0 : i32
    %dma_wait3A_90 = tpu.memref_slice %arg4[%dma_wait3A_88, %add3A_84, %dma_wait3A_89] : memref<4x8192x1024xf32, #tpu.memory_space<hbm>> -> memref<4x8x1024xf32, #tpu.memory_space<hbm>>
    tpu.wait_dma2 semaphore(%arg16 : memref<!tpu.dma_semaphore, #tpu.memory_space<semaphore_mem>>) src(%arg7 : memref<4x8x1024xf32, #tpu.memory_space<vmem>>) dst(%dma_wait3A_90 : memref<4x8x1024xf32, #tpu.memory_space<hbm>>)
    %add3A_91 = arith.constant 240 : i32
    %add3A_92 = arith.addi %mul3A_2, %add3A_91 : i32
    %dma_wait3A_93 = arith.constant 0 : i32
    %dma_wait3A_94 = arith.constant 0 : i32
    %dma_wait3A_95 = tpu.memref_slice %arg4[%dma_wait3A_93, %add3A_92, %dma_wait3A_94] : memref<4x8192x1024xf32, #tpu.memory_space<hbm>> -> memref<4x8x1024xf32, #tpu.memory_space<hbm>>
    %dma_wait3A_96 = arith.constant 0 : i32
    %dma_wait3A_97 = arith.constant 0 : i32
    %dma_wait3A_98 = tpu.memref_slice %arg4[%dma_wait3A_96, %add3A_92, %dma_wait3A_97] : memref<4x8192x1024xf32, #tpu.memory_space<hbm>> -> memref<4x8x1024xf32, #tpu.memory_space<hbm>>
    tpu.wait_dma2 semaphore(%arg14 : memref<!tpu.dma_semaphore, #tpu.memory_space<semaphore_mem>>) src(%arg5 : memref<4x8x1024xf32, #tpu.memory_space<vmem>>) dst(%dma_wait3A_98 : memref<4x8x1024xf32, #tpu.memory_space<hbm>>)
    %add3A_99 = arith.constant 248 : i32
    %add3A_100 = arith.addi %mul3A_2, %add3A_99 : i32
    %dma_wait3A_101 = arith.constant 0 : i32
    %dma_wait3A_102 = arith.constant 0 : i32
    %dma_wait3A_103 = tpu.memref_slice %arg4[%dma_wait3A_101, %add3A_100, %dma_wait3A_102] : memref<4x8192x1024xf32, #tpu.memory_space<hbm>> -> memref<4x8x1024xf32, #tpu.memory_space<hbm>>
    %dma_wait3A_104 = arith.constant 0 : i32
    %dma_wait3A_105 = arith.constant 0 : i32
    %dma_wait3A_106 = tpu.memref_slice %arg4[%dma_wait3A_104, %add3A_100, %dma_wait3A_105] : memref<4x8192x1024xf32, #tpu.memory_space<hbm>> -> memref<4x8x1024xf32, #tpu.memory_space<hbm>>
    tpu.wait_dma2 semaphore(%arg15 : memref<!tpu.dma_semaphore, #tpu.memory_space<semaphore_mem>>) src(%arg6 : memref<4x8x1024xf32, #tpu.memory_space<vmem>>) dst(%dma_wait3A_106 : memref<4x8x1024xf32, #tpu.memory_space<hbm>>)
    return
  }
}

</mosaic_0001>

<sc_bundles>
// kernel: kernel.3.cloned.1.call-start
scs
__scs_entry_jumppad:
0x0: {  	(pc) =	sbr.rel $0x88, $3  }
0x1: {  	(tag) =	ssettag $0x0;
	lr =	simm.s32 $0x1  }
0x2: {  	[smem:$0x3F9F] =	sst lr;
	_ =	strace $0xD0000000  }
0x3: {  	_ = 	snop  }
0x4: {  	_ = 	snop  }
0x5: {  	_ = 	snop  }
0x6: {  	_ = 	snop  }
0x7: {  	_ = 	snop  }
__scs_overlays_trampoline_lowered:
0x8: {  	[smem:$0x3FAE] =	sst s0  }
0x9: {  	[smem:$0x3FAF] =	sst s1  }
0xa: {  	[smem:$0x3FB0] =	sst s2  }
0xb: {  	[smem:$0x3FB1] =	sst s3  }
0xc: {  	[smem:$0x3FB2] =	sst s4  }
0xd: {  	[smem:$0x3FB3] =	sst s5  }
0xe: {  	[smem:$0x3FB4] =	sst s6  }
0xf: {  	[smem:$0x3FB5] =	sst s7  }
0x10: {  	[smem:$0x3FB6] =	sst s8  }
0x11: {  	[smem:$0x3FB7] =	sst s9;
	s0 =	simm.s32 @!p0 $0x0  }
0x12: {  	s1 =	sld [smem:$0x3F9D];
	s0 =	simm.s32 @p0 $0x1  }
0x13: {  	[smem:$0x3FB8] =	sst s0;
	s0 =	simm.s32 @!p1 $0x0  }
0x14: {  	s2 =	sld [smem:$0x3F9C];
	s0 =	simm.s32 @p1 $0x1  }
0x15: {  	[smem:$0x3FB9] =	sst s0;
	s0 =	simm.s32 @!p2 $0x0  }
0x16: {  	s3 =	sld [smem:$0x3FDB];
	s0 =	simm.s32 @p2 $0x1  }
0x17: {  	s4 =	simm.s32 $0x1BF5;
	[smem:$0x3FBB] =	sst s0  }
0x18: {  	s0 =	sld [smem:$0x3F9E];
	_ =	swait.ge [sflag:s4], $0x0  }
0x19: {  	s7 =	sld [smem:$0x3F9F]  }
0x1a: {  	s8 =	sadd.s32 $0xFFFFE003, lr  }
0x1b: {  	s9 =	sadd.s32 $0xFFFFFEF7, lr;
	s5 =	simm.s32 $0xFFFFFFFF;
	p2 =	slt.u32 s8, $0xFFFFF086  }
0x1c: {  	p1 =	slt.u32 s9, $0xF7A;
	s5 =	simm.s32 @!p2 $0x0  }
0x1d: {  	s5 =	simm.s32 @p1 $0x1;
	p0 =	seq.s32 s7, s2  }
0x1e: {  	s7 =	smul.u32 @!p0 $0xF7A, s2;
	p2 =	seq.s32 @!p0 s5, $0x0  }
0x1f: {  	s9 =	smul.u32 $0xF7A, s1;
	s8 =	simm.s32 @!p0 $0x1BF5;
	p2 =	por !p2, p0  }
0x20: {  	[sflag:s8] =	ssyncset.s32 @!p0 $0xFFFFF086;
	s6 =	sadd.s32 @!p0 s3, s7;
	s7 =	simm.s32 @!p0 $0x108  }
0x21: {  	s3 =	sadd.s32 s3, s9;
	s6 =	sadd.s32 @!p0 $0x88, s6;
	s7 =	simm.s32 @p2 $0x1082  }
0x22: {  	[simem:s7], [sflag:s8] =	dma.local @!p0 [hbm:s6], $0xF7A  }
0x23: {  	s9 =	sor.u32 $0xD0000000, s2;
	s6 =	simm.s32 $0x108;
	_ =	swait.ge @!p0 [sflag:s8], $0x0  }
0x24: {  	s3 =	sadd.s32 $0x88, s3;
	s6 =	simm.s32 @!p1 $0x1082;
	[sflag:s4] =	ssyncset.s32 $0xFFFFF086  }
0x25: {  	[simem:s6], [sflag:s4] =	dma.local [hbm:s3], $0xF7A  }
0x26: {  	[smem:$0x3F9F] =	sst s1;
	(tag) =	ssettag s2;
	_ =	strace s9  }
0x27: {  	s1 =	sld [smem:$0x3FAF]  }
0x28: {  	s2 =	sld [smem:$0x3FB0]  }
0x29: {  	s4 =	sld [smem:$0x3FB2]  }
0x2a: {  	p0 =	seq.s32 s5, $0x0;
	s5 =	sld [smem:$0x3FB3]  }
0x2b: {  	s6 =	sld [smem:$0x3FB4]  }
0x2c: {  	s7 =	sld [smem:$0x3FB5]  }
0x2d: {  	s3 =	simm.s32 $0x108;
	s8 =	sld [smem:$0x3FB6]  }
0x2e: {  	s3 =	simm.s32 @!p0 $0x1082;
	s9 =	sld [smem:$0x3FB7]  }
0x2f: {  	lr =	sadd.s32 s0, s3;
	s0 =	sld [smem:$0x3FAE]  }
0x30: {  	s3 =	sld [smem:$0x3FB1]  }
0x31: {  	[smem:$0x3FBA] =	sst s10  }
0x32: {  	s10 =	sld [smem:$0x3FB8];
	_ =	sdelay $0x3  }
0x33: {  	p0 =	seq.s32 s10, $0x1;
	s10 =	sld [smem:$0x3FBA];
	_ =	sdelay $0x3  }
0x34: {  	[smem:$0x3FBA] =	sst s10  }
0x35: {  	s10 =	sld [smem:$0x3FB9];
	_ =	sdelay $0x3  }
0x36: {  	p1 =	seq.s32 s10, $0x1;
	s10 =	sld [smem:$0x3FBA];
	_ =	sdelay $0x3  }
0x37: {  	[smem:$0x3FBA] =	sst s10  }
0x38: {  	s10 =	sld [smem:$0x3FBB]  }
0x39: {  	_ = 	snop;
	(pc) =	sbr.ind lr, $3  }
0x3a: {  	_ = 	snop  }
0x3b: {  	_ = 	snop  }
0x3c: {  	p2 =	seq.s32 s10, $0x1;
	s10 =	sld [smem:$0x3FBA]  }
0x3d: {  	_ =	shalt  }
0x3e: {  	_ =	shalt  }
0x3f: {  	_ =	shalt  }
0x40: {  	_ =	shalt  }
0x41: {  	_ =	shalt  }
0x42: {  	_ =	shalt  }
0x43: {  	_ =	shalt  }
0x44: {  	_ =	shalt  }
0x45: {  	_ =	shalt  }
0x46: {  	_ =	shalt  }
0x47: {  	_ =	shalt  }
0x48: {  	_ =	shalt  }
0x49: {  	_ =	shalt  }
0x4a: {  	_ =	shalt  }
0x4b: {  	_ =	shalt  }
0x4c: {  	_ =	shalt  }
0x4d: {  	_ =	shalt  }
0x4e: {  	_ =	shalt  }
0x4f: {  	_ =	shalt  }
0x50: {  	_ =	shalt  }
0x51: {  	_ =	shalt  }
0x52: {  	_ =	shalt  }
0x53: {  	_ =	shalt  }
0x54: {  	_ =	shalt  }
0x55: {  	_ =	shalt  }
0x56: {  	_ =	shalt  }
0x57: {  	_ =	shalt  }
0x58: {  	_ =	shalt  }
0x59: {  	_ =	shalt  }
0x5a: {  	_ =	shalt  }
0x5b: {  	_ =	shalt  }
0x5c: {  	_ =	shalt  }
0x5d: {  	_ =	shalt  }
0x5e: {  	_ =	shalt  }
0x5f: {  	_ =	shalt  }
0x60: {  	_ =	shalt  }
0x61: {  	_ =	shalt  }
0x62: {  	_ =	shalt  }
0x63: {  	_ =	shalt  }
0x64: {  	_ =	shalt  }
0x65: {  	_ =	shalt  }
0x66: {  	_ =	shalt  }
0x67: {  	_ =	shalt  }
0x68: {  	_ =	shalt  }
0x69: {  	_ =	shalt  }
0x6a: {  	_ =	shalt  }
0x6b: {  	_ =	shalt  }
0x6c: {  	_ =	shalt  }
0x6d: {  	_ =	shalt  }
0x6e: {  	_ =	shalt  }
0x6f: {  	_ =	shalt  }
0x70: {  	_ =	shalt  }
0x71: {  	_ =	shalt  }
0x72: {  	_ =	shalt  }
0x73: {  	_ =	shalt  }
0x74: {  	_ =	shalt  }
0x75: {  	_ =	shalt  }
0x76: {  	_ =	shalt  }
0x77: {  	_ =	shalt  }
0x78: {  	_ =	shalt  }
0x79: {  	_ =	shalt  }
0x7a: {  	_ =	shalt  }
0x7b: {  	_ =	shalt  }
0x7c: {  	_ =	shalt  }
0x7d: {  	_ =	shalt  }
0x7e: {  	_ =	shalt  }
0x7f: {  	_ =	shalt  }
0x80: {  	_ =	shalt  }
0x81: {  	_ =	shalt  }
0x82: {  	_ =	shalt  }
0x83: {  	_ =	shalt  }
0x84: {  	_ =	shalt  }
0x85: {  	_ =	shalt  }
0x86: {  	_ =	shalt  }
0x87: {  	_ =	shalt  }
.Lfunc_end0:
.L_simem_size_0:
called_computation_lowered:
.L_overlay_start_0:
0x88: {  	s2 =	sld [smem:$0x3FD9]  }
0x89: {  	s3 =	sld [smem:$0x3FFE];
	_ =	sdelay $0x1  }
0x8a: {  	s1 =	srdreg.scid  }
0x8b: {  	s0 =	sand.u32 $0x1, s1  }
0x8c: {  	s18 =	sshll.u32 s0, $0xA;
	s2 =	sadd.s32 s3, s2  }
0x8d: {  	s2 =	sadd.s32 s2, s18  }
0x8e: {  	[smem:$0x3FC6] =	sst s2  }
0x8f: {  	_ = 	snop  }
0x90: {  	s2 =	sld [smem:$0x3FC9]  }
0x91: {  	s19 =	sld [smem:$0x3FC8]  }
0x92: {  	s4 =	sld [smem:$0x3FD0];
	(tm) =	ssettm $0x1  }
0x93: {  	s5 =	sld [smem:$0x3FFB];
	_ =	sdelay $0x3  }
0x94: {  	_ =	strace s5  }
0x95: {  	s5 =	sld [smem:$0x3FFC];
	_ =	sdelay $0x3  }
0x96: {  	_ =	strace s5  }
0x97: {  	s5 =	sld [smem:$0x3FFD];
	_ =	sdelay $0x3  }
0x98: {  	_ =	strace s5  }
0x99: {  	_ =	strace $0x8FFFFFFF  }
0x9a: {  	s20 =	sld [smem:$0x3FDB];
	_ =	sdelay $0x1  }
0x9b: {  	s6 =	simm.s32 $_scs_section_size  }
0x9c: {  	s7 =	simm.s32 $_size__tile_overlayer_lowered;
	s8 =	simm.s32 $_tile_overlayer_lowered  }
0x9d: {  	s23 =	simm.s32 $0x1BFF;
	s22 =	sshll.u32 s8, $0x1;
	s5 =	sadd.s32 s6, s20  }
0x9e: {  	s9 =	simm.s32 $0x0;
	s21 =	sshll.u32 s7, $0x1;
	s7 =	sadd.s32 s22, s5  }
0x9f: {  	[timem:s9], [sflag:s23] =	dma.local [hbm:s7], s21  }
0xa0: {  	_ =	swait.ge [sflag:s23], s21  }
0xa1: {  	s6 =	ssub.s32 $0x0, s21;
	[sflag:s23] =	ssyncset.done $0x0  }
0xa2: {  	[sflag:s23] =	ssyncadd.s32 s6;
	_ =	sdelay $0x1  }
0xa3: {  	s24 =	simm.s32 $0x1B8B  }
0xa4: {  	_ =	swait.ge [sflag:s24], $0x1  }
0xa5: {  	[sflag:s24] =	ssyncset.done $0x0  }
0xa6: {  	s25 =	simm.s32 $0x1B8E;
	[sflag:s24] =	ssyncadd.s32 $0xFFFFFFFF  }
0xa7: {  	s26 =	simm.s32 $execute0_lowered;
	[smem:$0x3FD2] =	sst s25  }
0xa8: {  	s6 =	sshll.u32 s26, $0x1;
	_ =	strace $0x80000046;
	[dreg:$0x1] =	wrdreg $0xFFFFFFFF  }
0xa9: {  	s28 =	simm.s32 $_size_execute0_lowered;
	s5 =	sadd.s32 s5, s6;
	[dreg:$0x0] =	wrdreg $0x0  }
0xaa: {  	s6 =	sshll.u32 s28, $0x1;
	[dreg:$0x2] =	wrdreg s5  }
0xab: {  	[dreg:$0x3] =	wrdreg s6  }
0xac: {  	[dreg:$0x4] =	wrdreg $0xC0  }
0xad: {  	_ =	task [dreg:s9], $0x5FFFF  }
0xae: {  	[dreg:$0x1] =	wrdreg $0xFFFFFFFF  }
0xaf: {  	[dreg:$0x0] =	wrdreg $0x60  }
0xb0: {  	[dreg:$0x2] =	wrdreg s2  }
0xb1: {  	[dreg:$0x3] =	wrdreg s19  }
0xb2: {  	[dreg:$0x4] =	wrdreg s4  }
0xb3: {  	[dreg:$0x5] =	wrdreg $0x9  }
0xb4: {  	_ =	task.clear_ibuf [dreg:s9], $0x6FFFF;
	_ =	strace $0x90000046  }
0xb5: {  	s29 =	simm.s32 $0x9;
	_ =	strace $0x80000048  }
0xb6: {  	_ =	swait.ge [sflag:s29], $0x1  }
0xb7: {  	[sflag:s29] =	ssyncadd.s32 $0xFFFFFFFF  }
0xb8: {  	_ =	strace $0x90000048  }
0xb9: {  	_ =	sfence  }
0xba: {  	s30 =	sld [smem:$0x0];
	_ =	sdelay $0x2  }
0xbb: {  	s31 =	sshll.u32 s1, $0xD;
	s1 =	sshrl.u32 s1, $0x2  }
0xbc: {  	s3 =	sand.u32 $0x4000, s31;
	s1 =	sadd.s32 s1, s30  }
0xbd: {  	s0 =	sor.u32 s3, s0;
	s1 =	sshll.u32 s1, $0x11  }
0xbe: {  	s0 =	sor.u32 s1, s0  }
0xbf: {  	s0 =	sadd.s32 $0x8F2B, s0  }
0xc0: {  	[sflag:s0] =	ssyncadd.remote.s32 $0x1  }
0xc1: {  	_ =	sfence.sel $0xFFFF  }
0xc2: {  	[dreg:$0x0] =	wrdreg $0xFFFFFFFF;
	(pc) =	sbr.abs _section_cstart, $3  }
0xc3: {  	[dreg:$0x1] =	wrdreg $0xFFFFFFFF  }
0xc4: {  	_ =	task.clear_ibuf [dreg:s9], $0x2FFFF;
	_ =	strace $0x9FFFFFFF  }
0xc5: {  	(tm) =	ssettm $0x7FFFFFFF  }
tec
execute0_lowered:
.L_overlay_start_1:
0x0: {  	(tag) =	ssettag $0x1  }
0x1: {  	s2 =	rddreg [dreg:$0x0]  }
0x2: {  	s3 =	rddreg [dreg:$0x1];
	s0 =	srdreg.scid  }
0x3: {  	s4 =	rddreg [dreg:$0x2];
	s1 =	stileid.u32  }
0x4: {  	s5 =	simm.s32 $0x0;
	s19 =	simm.s32 $0x2000;
	s28 =	simm.s32 $0x8  }
0x5: {  	s29 =	simm.s32 $0x2;
	s30 =	simm.s32 $0x4;
	s0 =	sand.u32 $0x1, s0  }
0x6: {  	s31 =	simm.s32 $0x9;
	s1 =	sshll.u32 s1, $0x9;
	s6 =	sshll.u32 s0, $0x8  }
0x7: {  	[smem:$0x7FF] =	sst s5;
	s0 =	ssub.s32 $0x2, s0;
	s7 =	sor.u32 s6, s1  }
0x8: {  	_ =	strace $0x80000047;
	s20 =	sshrl.u32 s0, $0x1;
	s6 =	sshll.u32 s7, $0x7  }
0x9: {  	s0 =	ssub.s32 s0, s20;
	s12 =	smov.u32 s7;
	s7 =	sshrl.u32 s7, $0x3  }
0xa: {  	s20 =	simm.s32 $0x800000;
	s21 =	sadd.s32 s3, s6;
	s22 =	sadd.s32 s2, s6  }
0xb: {  	s23 =	sor.u32 $0x400, s6;
	s24 =	sor.u32 $0x2, s7;
	[dreg:$0x4] =	wrdreg s21  }
0xc: {  	s25 =	sor.u32 $0x1, s7;
	s13 =	sor.u32 $0x3, s7;
	[dreg:$0x5] =	wrdreg s22  }
0xd: {  	s26 =	sadd.s32 s6, s4;
	s14 =	sor.u32 $0x4, s7;
	[dreg:$0x8] =	wrdreg s24  }
0xe: {  	s0 =	smax.u32 s0, $0x1;
	s7 =	simm.s32 $0x0;
	[dreg:$0x9] =	wrdreg s25  }
0xf: {  	s8 =	sadd.s32 s3, s23;
	s1 =	sadd.s32 s2, s23;
	[dreg:$0xc] =	wrdreg s0  }
0x10: {  	s6 =	sadd.s32 $0x7800, s26;
	s22 =	simm.s32 $0x8000;
	[dreg:$0x6] =	wrdreg s8  }
0x11: {  	s23 =	simm.s32 $0x7;
	s24 =	simm.s32 $0x1;
	[dreg:$0x7] =	wrdreg s1  }
0x12: {  	s0 =	simm.s32 $0x3;
	[dreg:$0xa] =	wrdreg s6;
	s1 =	sadd.s32 $0x7C00, s26  }
0x13: {  	s26 =	simm.s32 $0x10000;
	[dreg:$0xb] =	wrdreg s1;
	s1 =	simm.s32 $0x5  }
.LBB2_1:
0x14: {  	[dreg:$0xd] =	wrdreg s7  }
0x15: {  	s6 =	rddreg [dreg:$0x4];
	s16 =	simm.s32 $0x18000  }
0x16: {  	[tilespmem:s16], [sflag:$0x7] =	stream.linear.gather [hbm4b:s6+s5], $0x2000, $0x38;
	[tilespmem:$0x1E000] =	vst v63  }
0x17: {  	s17 =	rddreg [dreg:$0x5]  }
0x18: {  	[tilespmem:s5], [sflag:$0x1] =	stream.strided.gather [hbm4b:s17+s19], $0x8000, s20, s19, $0x38;
	[tilespmem:$0x1E000] =	vst v63  }
0x19: {  	s18 =	rddreg [dreg:$0x6];
	s21 =	simm.s32 $0x1A000  }
0x1a: {  	[tilespmem:s21], [sflag:$0x8] =	stream.linear.gather [hbm4b:s18+s5], $0x2000, $0x38;
	[tilespmem:$0x1E000] =	vst v63  }
0x1b: {  	s25 =	rddreg [dreg:$0x7];
	s9 =	simm.s32 $0x0  }
0x1c: {  	[tilespmem:s22], [sflag:$0x2] =	stream.strided.gather [hbm4b:s25+s19], $0x8000, s20, s19, $0x38;
	[tilespmem:$0x1E000] =	vst v63  }
.LBB2_2:
0x1d: {  	_ =	swait.ge [sflag:s23], $0x2000  }
0x1e: {  	[sflag:s23] =	ssyncset.done $0x0  }
0x1f: {  	[sflag:s23] =	ssyncadd.s32 $0xFFFFE000  }
0x20: {  	_ =	swait.ge [sflag:s24], $0x8000  }
0x21: {  	[sflag:s24] =	ssyncset.done $0x0  }
0x22: {  	s10 =	simm.s32 $0x0;
	s15 =	simm.s32 $0x0;
	[sflag:s24] =	ssyncadd.s32 $0xFFFF8000  }
.LBB2_3:
0x23: {  	s16 =	simm.s32 $0x18400;
	s7 =	smov.u32 s10;
	s8 =	simm.s32 $0x0  }
.LBB2_4:
0x24: {  	v0 =	vmov s16;
	_ =	sdelay $0x3  }
0x25: {  	s6 =	simm.s32 $0x0  }
0x26: {  	v1 =	vld.idx.msk [tilespmem:v0+s6+$0x70 ss:$0x1], $0xffff  }
0x27: {  	v2 =	vld.idx.msk [tilespmem:v0+s6+$0xFFFFFC00 ss:$0x1], $0xffff  }
0x28: {  	v3 =	vld.idx.msk [tilespmem:v0+s6+$0xFFFFFC10 ss:$0x1], $0xffff  }
0x29: {  	v4 =	vld.idx.msk [tilespmem:v0+s6+$0xFFFFFC20 ss:$0x1], $0xffff  }
0x2a: {  	v5 =	vld.idx.msk [tilespmem:v0+s6+$0xFFFFFC30 ss:$0x1], $0xffff  }
0x2b: {  	v6 =	vld.idx.msk [tilespmem:v0+s6+$0xFFFFFC40 ss:$0x1], $0xffff  }
0x2c: {  	v7 =	vld.idx.msk [tilespmem:v0+s6+$0xFFFFFC50 ss:$0x1], $0xffff  }
0x2d: {  	v8 =	vld.idx.msk [tilespmem:v0+s6+$0xFFFFFC60 ss:$0x1], $0xffff  }
0x2e: {  	v9 =	vld.idx.msk [tilespmem:v0+s6+$0xFFFFFC70 ss:$0x1], $0xffff  }
0x2f: {  	v10 =	vld.idx.msk [tilespmem:v0+s6+$0x0 ss:$0x1], $0xffff  }
0x30: {  	v11 =	vld.idx.msk [tilespmem:v0+s6+$0x10 ss:$0x1], $0xffff  }
0x31: {  	v12 =	vld.idx.msk [tilespmem:v0+s6+$0x20 ss:$0x1], $0xffff  }
0x32: {  	v13 =	vld.idx.msk [tilespmem:v0+s6+$0x30 ss:$0x1], $0xffff  }
0x33: {  	v14 =	vld.idx.msk [tilespmem:v0+s6+$0x40 ss:$0x1], $0xffff  }
0x34: {  	s17 =	sadd.s32 $0x0, s7;
	v15 =	vld.idx.msk [tilespmem:v0+s6+$0x50 ss:$0x1], $0xffff  }
0x35: {  	[tilespmem:s17+$0x470] =	vst.add.f32.msk $0xffff, v1  }
0x36: {  	v1 =	vld.idx.msk [tilespmem:v0+s6+$0x60 ss:$0x1], $0xffff  }
0x37: {  	[tilespmem:s17+$0x0] =	vst.add.f32.msk $0xffff, v2  }
0x38: {  	[tilespmem:s17+$0x10] =	vst.add.f32.msk $0xffff, v3  }
0x39: {  	[tilespmem:s17+$0x20] =	vst.add.f32.msk $0xffff, v4  }
0x3a: {  	[tilespmem:s17+$0x30] =	vst.add.f32.msk $0xffff, v5  }
0x3b: {  	[tilespmem:s17+$0x40] =	vst.add.f32.msk $0xffff, v6  }
0x3c: {  	[tilespmem:s17+$0x50] =	vst.add.f32.msk $0xffff, v7  }
0x3d: {  	[tilespmem:s17+$0x60] =	vst.add.f32.msk $0xffff, v8  }
0x3e: {  	[tilespmem:s17+$0x70] =	vst.add.f32.msk $0xffff, v9  }
0x3f: {  	[tilespmem:s17+$0x400] =	vst.add.f32.msk $0xffff, v10  }
0x40: {  	[tilespmem:s17+$0x410] =	vst.add.f32.msk $0xffff, v11  }
0x41: {  	[tilespmem:s17+$0x420] =	vst.add.f32.msk $0xffff, v12  }
0x42: {  	[tilespmem:s17+$0x430] =	vst.add.f32.msk $0xffff, v13  }
0x43: {  	[tilespmem:s17+$0x440] =	vst.add.f32.msk $0xffff, v14  }
0x44: {  	s18 =	simm.s32 $0x0;
	s21 =	simm.s32 $0x2000;
	[tilespmem:s17+$0x450] =	vst.add.f32.msk $0xffff, v15  }
.LBB2_5:
0x45: {  	s6 =	sshra.s32 s21, $0x2;
	s18 =	sadd.s32 $0x100, s18;
	[tilespmem:s17+$0x460] =	vst.add.f32.msk $0xffff, v1  }
0x46: {  	v1 =	vld.idx.msk [tilespmem:v0+s6+$0x70 ss:$0x1], $0xffff;
	p0 =	slt.u32 s18, $0x300  }
0x47: {  	v2 =	vld.idx.msk [tilespmem:v0+s6+$0xFFFFFC00 ss:$0x1], $0xffff  }
0x48: {  	v3 =	vld.idx.msk [tilespmem:v0+s6+$0xFFFFFC10 ss:$0x1], $0xffff  }
0x49: {  	v4 =	vld.idx.msk [tilespmem:v0+s6+$0xFFFFFC20 ss:$0x1], $0xffff  }
0x4a: {  	v5 =	vld.idx.msk [tilespmem:v0+s6+$0xFFFFFC30 ss:$0x1], $0xffff  }
0x4b: {  	s17 =	sadd.s32 s6, s7;
	v6 =	vld.idx.msk [tilespmem:v0+s6+$0xFFFFFC40 ss:$0x1], $0xffff  }
0x4c: {  	[tilespmem:s17+$0x470] =	vst.add.f32.msk $0xffff, v1  }
0x4d: {  	v7 =	vld.idx.msk [tilespmem:v0+s6+$0xFFFFFC50 ss:$0x1], $0xffff  }
0x4e: {  	v8 =	vld.idx.msk [tilespmem:v0+s6+$0xFFFFFC60 ss:$0x1], $0xffff  }
0x4f: {  	v9 =	vld.idx.msk [tilespmem:v0+s6+$0xFFFFFC70 ss:$0x1], $0xffff  }
0x50: {  	v10 =	vld.idx.msk [tilespmem:v0+s6+$0x0 ss:$0x1], $0xffff  }
0x51: {  	v11 =	vld.idx.msk [tilespmem:v0+s6+$0x10 ss:$0x1], $0xffff  }
0x52: {  	v12 =	vld.idx.msk [tilespmem:v0+s6+$0x20 ss:$0x1], $0xffff  }
0x53: {  	v13 =	vld.idx.msk [tilespmem:v0+s6+$0x30 ss:$0x1], $0xffff  }
0x54: {  	v14 =	vld.idx.msk [tilespmem:v0+s6+$0x40 ss:$0x1], $0xffff  }
0x55: {  	v15 =	vld.idx.msk [tilespmem:v0+s6+$0x50 ss:$0x1], $0xffff  }
0x56: {  	v1 =	vld.idx.msk [tilespmem:v0+s6+$0x60 ss:$0x1], $0xffff  }
0x57: {  	[tilespmem:s17+$0x0] =	vst.add.f32.msk $0xffff, v2  }
0x58: {  	[tilespmem:s17+$0x10] =	vst.add.f32.msk $0xffff, v3  }
0x59: {  	[tilespmem:s17+$0x20] =	vst.add.f32.msk $0xffff, v4  }
0x5a: {  	[tilespmem:s17+$0x30] =	vst.add.f32.msk $0xffff, v5  }
0x5b: {  	[tilespmem:s17+$0x40] =	vst.add.f32.msk $0xffff, v6  }
0x5c: {  	[tilespmem:s17+$0x50] =	vst.add.f32.msk $0xffff, v7  }
0x5d: {  	[tilespmem:s17+$0x60] =	vst.add.f32.msk $0xffff, v8  }
0x5e: {  	[tilespmem:s17+$0x70] =	vst.add.f32.msk $0xffff, v9  }
0x5f: {  	[tilespmem:s17+$0x400] =	vst.add.f32.msk $0xffff, v10  }
.Ltmp0:
0x60: {  	[tilespmem:s17+$0x410] =	vst.add.f32.msk $0xffff, v11;
	(pc) =	sbr.rel @p0 .LBB2_5-.Ltmp0, $4  }
0x61: {  	[tilespmem:s17+$0x420] =	vst.add.f32.msk $0xffff, v12  }
0x62: {  	[tilespmem:s17+$0x430] =	vst.add.f32.msk $0xffff, v13  }
0x63: {  	[tilespmem:s17+$0x440] =	vst.add.f32.msk $0xffff, v14  }
0x64: {  	s21 =	sadd.s32 $0x2000, s21;
	[tilespmem:s17+$0x450] =	vst.add.f32.msk $0xffff, v15  }
0x65: {  	s8 =	sadd.s32 $0x1, s8  }
0x66: {  	p0 =	sne.s32 s8, $0x8  }
.Ltmp1:
0x67: {  	_ = 	snop;
	(pc) =	sbr.rel @p0 .LBB2_4-.Ltmp1, $2  }
0x68: {  	_ =	sdelay $0x2  }
0x69: {  	[tilespmem:s17+$0x460] =	vst.add.f32.msk $0xffff, v1;
	s7 =	sadd.s32 $0x80, s7;
	s16 =	sadd.s32 $0x80, s16  }
0x6a: {  	s15 =	sadd.s32 $0x1, s15  }
0x6b: {  	p0 =	sne.s32 s15, $0x4  }
.Ltmp2:
0x6c: {  	_ = 	snop;
	(pc) =	sbr.rel @p0 .LBB2_3-.Ltmp2, $2  }
0x6d: {  	_ =	sdelay $0x2  }
0x6e: {  	s10 =	sadd.s32 $0x2000, s10  }
0x6f: {  	s6 =	smul.u32 $0x18, s9;
	_ =	sdelay $0x1  }
0x70: {  	s6 =	sadd.s32 s12, s6  }
0x71: {  	s6 =	sshll.u32 s6, $0x7  }
0x72: {  	s10 =	smul.u32 $0x3, s9;
	s21 =	rddreg [dreg:$0x8];
	s6 =	sadd.s32 s4, s6  }
0x73: {  	[hbm4b:s6+s19] =	stream.strided.scatter [tilespmem:s5], [sflag:$0x4], $0x8000, s20, s19, $0x38;
	[tilespmem:$0x1E000] =	vst v63  }
0x74: {  	s6 =	sadd.s32 s10, s21  }
0x75: {  	s15 =	sshll.u32 s6, $0xA  }
0x76: {  	s7 =	simm.s32 $0x1C000;
	p0 =	seq.s32 s9, $0x0;
	s6 =	sadd.s32 s3, s15  }
0x77: {  	[tilespmem:s7], [sflag:$0x9] =	stream.linear.gather [hbm4b:s6+s5], $0x2000, $0x38;
	[tilespmem:$0x1E000] =	vst v63  }
0x78: {  	s6 =	simm.s32 @!p0 $0x6  }
0x79: {  	_ =	swait.ge @!p0 [sflag:s6], $0x8000  }
0x7a: {  	[sflag:s6] =	ssyncset.done @!p0 $0x0  }
0x7b: {  	s25 =	sadd.s32 s2, s15;
	[sflag:s6] =	ssyncadd.s32 @!p0 $0xFFFF8000  }
0x7c: {  	[tilespmem:s26], [sflag:$0x3] =	stream.strided.gather [hbm4b:s25+s19], $0x8000, s20, s19, $0x38;
	[tilespmem:$0x1E000] =	vst v63  }
0x7d: {  	_ =	swait.ge [sflag:s28], $0x2000  }
0x7e: {  	[sflag:s28] =	ssyncset.done $0x0  }
0x7f: {  	[sflag:s28] =	ssyncadd.s32 $0xFFFFE000  }
0x80: {  	_ =	swait.ge [sflag:s29], $0x8000  }
0x81: {  	[sflag:s29] =	ssyncset.done $0x0  }
0x82: {  	s16 =	simm.s32 $0x0;
	s8 =	simm.s32 $0x8000;
	[sflag:s29] =	ssyncadd.s32 $0xFFFF8000  }
.LBB2_9:
0x83: {  	s7 =	simm.s32 $0x1A400;
	s17 =	smov.u32 s8;
	s25 =	simm.s32 $0x0  }
.LBB2_10:
0x84: {  	v0 =	vmov s7;
	_ =	sdelay $0x3  }
0x85: {  	s6 =	simm.s32 $0x0  }
0x86: {  	v1 =	vld.idx.msk [tilespmem:v0+s6+$0x70 ss:$0x1], $0xffff  }
0x87: {  	v2 =	vld.idx.msk [tilespmem:v0+s6+$0xFFFFFC00 ss:$0x1], $0xffff  }
0x88: {  	v3 =	vld.idx.msk [tilespmem:v0+s6+$0xFFFFFC10 ss:$0x1], $0xffff  }
0x89: {  	v4 =	vld.idx.msk [tilespmem:v0+s6+$0xFFFFFC20 ss:$0x1], $0xffff  }
0x8a: {  	v5 =	vld.idx.msk [tilespmem:v0+s6+$0xFFFFFC30 ss:$0x1], $0xffff  }
0x8b: {  	v6 =	vld.idx.msk [tilespmem:v0+s6+$0xFFFFFC40 ss:$0x1], $0xffff  }
0x8c: {  	v7 =	vld.idx.msk [tilespmem:v0+s6+$0xFFFFFC50 ss:$0x1], $0xffff  }
0x8d: {  	v8 =	vld.idx.msk [tilespmem:v0+s6+$0xFFFFFC60 ss:$0x1], $0xffff  }
0x8e: {  	v9 =	vld.idx.msk [tilespmem:v0+s6+$0xFFFFFC70 ss:$0x1], $0xffff  }
0x8f: {  	v10 =	vld.idx.msk [tilespmem:v0+s6+$0x0 ss:$0x1], $0xffff  }
0x90: {  	v11 =	vld.idx.msk [tilespmem:v0+s6+$0x10 ss:$0x1], $0xffff  }
0x91: {  	v12 =	vld.idx.msk [tilespmem:v0+s6+$0x20 ss:$0x1], $0xffff  }
0x92: {  	v13 =	vld.idx.msk [tilespmem:v0+s6+$0x30 ss:$0x1], $0xffff  }
0x93: {  	v14 =	vld.idx.msk [tilespmem:v0+s6+$0x40 ss:$0x1], $0xffff  }
0x94: {  	s18 =	sadd.s32 $0x0, s17;
	v15 =	vld.idx.msk [tilespmem:v0+s6+$0x50 ss:$0x1], $0xffff  }
0x95: {  	[tilespmem:s18+$0x470] =	vst.add.f32.msk $0xffff, v1  }
0x96: {  	v1 =	vld.idx.msk [tilespmem:v0+s6+$0x60 ss:$0x1], $0xffff  }
0x97: {  	[tilespmem:s18+$0x0] =	vst.add.f32.msk $0xffff, v2  }
0x98: {  	[tilespmem:s18+$0x10] =	vst.add.f32.msk $0xffff, v3  }
0x99: {  	[tilespmem:s18+$0x20] =	vst.add.f32.msk $0xffff, v4  }
0x9a: {  	[tilespmem:s18+$0x30] =	vst.add.f32.msk $0xffff, v5  }
0x9b: {  	[tilespmem:s18+$0x40] =	vst.add.f32.msk $0xffff, v6  }
0x9c: {  	[tilespmem:s18+$0x50] =	vst.add.f32.msk $0xffff, v7  }
0x9d: {  	[tilespmem:s18+$0x60] =	vst.add.f32.msk $0xffff, v8  }
0x9e: {  	[tilespmem:s18+$0x70] =	vst.add.f32.msk $0xffff, v9  }
0x9f: {  	[tilespmem:s18+$0x400] =	vst.add.f32.msk $0xffff, v10  }
0xa0: {  	[tilespmem:s18+$0x410] =	vst.add.f32.msk $0xffff, v11  }
0xa1: {  	[tilespmem:s18+$0x420] =	vst.add.f32.msk $0xffff, v12  }
0xa2: {  	[tilespmem:s18+$0x430] =	vst.add.f32.msk $0xffff, v13  }
0xa3: {  	[tilespmem:s18+$0x440] =	vst.add.f32.msk $0xffff, v14  }
0xa4: {  	s21 =	simm.s32 $0x0;
	[tilespmem:s18+$0x450] =	vst.add.f32.msk $0xffff, v15;
	s6 =	simm.s32 $0x2000  }
.LBB2_11:
0xa5: {  	s11 =	sshra.s32 s6, $0x2;
	s21 =	sadd.s32 $0x100, s21;
	[tilespmem:s18+$0x460] =	vst.add.f32.msk $0xffff, v1  }
0xa6: {  	v1 =	vld.idx.msk [tilespmem:v0+s11+$0x70 ss:$0x1], $0xffff;
	p0 =	slt.u32 s21, $0x300  }
0xa7: {  	v2 =	vld.idx.msk [tilespmem:v0+s11+$0xFFFFFC00 ss:$0x1], $0xffff  }
0xa8: {  	v3 =	vld.idx.msk [tilespmem:v0+s11+$0xFFFFFC10 ss:$0x1], $0xffff  }
0xa9: {  	v4 =	vld.idx.msk [tilespmem:v0+s11+$0xFFFFFC20 ss:$0x1], $0xffff  }
0xaa: {  	v5 =	vld.idx.msk [tilespmem:v0+s11+$0xFFFFFC30 ss:$0x1], $0xffff  }
0xab: {  	s18 =	sadd.s32 s11, s17;
	v6 =	vld.idx.msk [tilespmem:v0+s11+$0xFFFFFC40 ss:$0x1], $0xffff  }
0xac: {  	[tilespmem:s18+$0x470] =	vst.add.f32.msk $0xffff, v1  }
0xad: {  	v7 =	vld.idx.msk [tilespmem:v0+s11+$0xFFFFFC50 ss:$0x1], $0xffff  }
0xae: {  	v8 =	vld.idx.msk [tilespmem:v0+s11+$0xFFFFFC60 ss:$0x1], $0xffff  }
0xaf: {  	v9 =	vld.idx.msk [tilespmem:v0+s11+$0xFFFFFC70 ss:$0x1], $0xffff  }
0xb0: {  	v10 =	vld.idx.msk [tilespmem:v0+s11+$0x0 ss:$0x1], $0xffff  }
0xb1: {  	v11 =	vld.idx.msk [tilespmem:v0+s11+$0x10 ss:$0x1], $0xffff  }
0xb2: {  	v12 =	vld.idx.msk [tilespmem:v0+s11+$0x20 ss:$0x1], $0xffff  }
0xb3: {  	v13 =	vld.idx.msk [tilespmem:v0+s11+$0x30 ss:$0x1], $0xffff  }
0xb4: {  	v14 =	vld.idx.msk [tilespmem:v0+s11+$0x40 ss:$0x1], $0xffff  }
0xb5: {  	v15 =	vld.idx.msk [tilespmem:v0+s11+$0x50 ss:$0x1], $0xffff  }
0xb6: {  	v1 =	vld.idx.msk [tilespmem:v0+s11+$0x60 ss:$0x1], $0xffff  }
0xb7: {  	[tilespmem:s18+$0x0] =	vst.add.f32.msk $0xffff, v2  }
0xb8: {  	[tilespmem:s18+$0x10] =	vst.add.f32.msk $0xffff, v3  }
0xb9: {  	[tilespmem:s18+$0x20] =	vst.add.f32.msk $0xffff, v4  }
0xba: {  	[tilespmem:s18+$0x30] =	vst.add.f32.msk $0xffff, v5  }
0xbb: {  	[tilespmem:s18+$0x40] =	vst.add.f32.msk $0xffff, v6  }
0xbc: {  	[tilespmem:s18+$0x50] =	vst.add.f32.msk $0xffff, v7  }
0xbd: {  	[tilespmem:s18+$0x60] =	vst.add.f32.msk $0xffff, v8  }
0xbe: {  	[tilespmem:s18+$0x70] =	vst.add.f32.msk $0xffff, v9  }
0xbf: {  	[tilespmem:s18+$0x400] =	vst.add.f32.msk $0xffff, v10  }
.Ltmp3:
0xc0: {  	[tilespmem:s18+$0x410] =	vst.add.f32.msk $0xffff, v11;
	(pc) =	sbr.rel @p0 .LBB2_11-.Ltmp3, $4  }
0xc1: {  	[tilespmem:s18+$0x420] =	vst.add.f32.msk $0xffff, v12  }
0xc2: {  	[tilespmem:s18+$0x430] =	vst.add.f32.msk $0xffff, v13  }
0xc3: {  	[tilespmem:s18+$0x440] =	vst.add.f32.msk $0xffff, v14  }
0xc4: {  	s6 =	sadd.s32 $0x2000, s6;
	[tilespmem:s18+$0x450] =	vst.add.f32.msk $0xffff, v15  }
0xc5: {  	s25 =	sadd.s32 $0x1, s25  }
0xc6: {  	p0 =	sne.s32 s25, $0x8  }
.Ltmp4:
0xc7: {  	_ = 	snop;
	(pc) =	sbr.rel @p0 .LBB2_10-.Ltmp4, $2  }
0xc8: {  	_ =	sdelay $0x2  }
0xc9: {  	[tilespmem:s18+$0x460] =	vst.add.f32.msk $0xffff, v1;
	s17 =	sadd.s32 $0x80, s17;
	s7 =	sadd.s32 $0x80, s7  }
0xca: {  	s16 =	sadd.s32 $0x1, s16  }
0xcb: {  	p0 =	sne.s32 s16, $0x4  }
.Ltmp5:
0xcc: {  	_ = 	snop;
	(pc) =	sbr.rel @p0 .LBB2_9-.Ltmp5, $2  }
0xcd: {  	_ =	sdelay $0x2  }
0xce: {  	s8 =	sadd.s32 $0x2000, s8  }
0xcf: {  	s6 =	rddreg [dreg:$0x9]  }
0xd0: {  	s6 =	sadd.s32 s10, s6  }
0xd1: {  	s6 =	sshll.u32 s6, $0xA  }
0xd2: {  	s25 =	sadd.s32 s10, s13;
	s6 =	sadd.s32 s4, s6  }
0xd3: {  	[hbm4b:s6+s19] =	stream.strided.scatter [tilespmem:s22], [sflag:$0x5], $0x8000, s20, s19, $0x38;
	[tilespmem:$0x1E000] =	vst v63  }
0xd4: {  	s6 =	sshll.u32 s25, $0xA  }
0xd5: {  	s16 =	simm.s32 $0x0;
	s8 =	simm.s32 $0x18000;
	s7 =	sadd.s32 s3, s6  }
0xd6: {  	[tilespmem:s8], [sflag:$0x7] =	stream.linear.gather [hbm4b:s7+s16], $0x2000, $0x38;
	[tilespmem:$0x1E000] =	vst v63  }
0xd7: {  	_ =	swait.ge [sflag:s30], $0x8000  }
0xd8: {  	[sflag:s30] =	ssyncset.done $0x0  }
0xd9: {  	s6 =	sadd.s32 s2, s6;
	[sflag:s30] =	ssyncadd.s32 $0xFFFF8000  }
0xda: {  	[tilespmem:s16], [sflag:$0x1] =	stream.strided.gather [hbm4b:s6+s19], $0x8000, s20, s19, $0x38;
	[tilespmem:$0x1E000] =	vst v63  }
0xdb: {  	_ =	swait.ge [sflag:s31], $0x2000  }
0xdc: {  	[sflag:s31] =	ssyncset.done $0x0  }
0xdd: {  	[sflag:s31] =	ssyncadd.s32 $0xFFFFE000  }
0xde: {  	_ =	swait.ge [sflag:s0], $0x8000  }
0xdf: {  	[sflag:s0] =	ssyncset.done $0x0  }
0xe0: {  	s17 =	simm.s32 $0x10000;
	[sflag:s0] =	ssyncadd.s32 $0xFFFF8000  }
.LBB2_15:
0xe1: {  	s7 =	simm.s32 $0x1C400;
	s8 =	smov.u32 s17;
	s25 =	simm.s32 $0x0  }
.LBB2_16:
0xe2: {  	v0 =	vmov s7;
	_ =	sdelay $0x3  }
0xe3: {  	s6 =	simm.s32 $0x0  }
0xe4: {  	v1 =	vld.idx.msk [tilespmem:v0+s6+$0x70 ss:$0x1], $0xffff  }
0xe5: {  	v2 =	vld.idx.msk [tilespmem:v0+s6+$0xFFFFFC00 ss:$0x1], $0xffff  }
0xe6: {  	v3 =	vld.idx.msk [tilespmem:v0+s6+$0xFFFFFC10 ss:$0x1], $0xffff  }
0xe7: {  	v4 =	vld.idx.msk [tilespmem:v0+s6+$0xFFFFFC20 ss:$0x1], $0xffff  }
0xe8: {  	v5 =	vld.idx.msk [tilespmem:v0+s6+$0xFFFFFC30 ss:$0x1], $0xffff  }
0xe9: {  	v6 =	vld.idx.msk [tilespmem:v0+s6+$0xFFFFFC40 ss:$0x1], $0xffff  }
0xea: {  	v7 =	vld.idx.msk [tilespmem:v0+s6+$0xFFFFFC50 ss:$0x1], $0xffff  }
0xeb: {  	v8 =	vld.idx.msk [tilespmem:v0+s6+$0xFFFFFC60 ss:$0x1], $0xffff  }
0xec: {  	v9 =	vld.idx.msk [tilespmem:v0+s6+$0xFFFFFC70 ss:$0x1], $0xffff  }
0xed: {  	v10 =	vld.idx.msk [tilespmem:v0+s6+$0x0 ss:$0x1], $0xffff  }
0xee: {  	v11 =	vld.idx.msk [tilespmem:v0+s6+$0x10 ss:$0x1], $0xffff  }
0xef: {  	v12 =	vld.idx.msk [tilespmem:v0+s6+$0x20 ss:$0x1], $0xffff  }
0xf0: {  	v13 =	vld.idx.msk [tilespmem:v0+s6+$0x30 ss:$0x1], $0xffff  }
0xf1: {  	v14 =	vld.idx.msk [tilespmem:v0+s6+$0x40 ss:$0x1], $0xffff  }
0xf2: {  	s18 =	sadd.s32 $0x0, s8;
	v15 =	vld.idx.msk [tilespmem:v0+s6+$0x50 ss:$0x1], $0xffff  }
0xf3: {  	[tilespmem:s18+$0x470] =	vst.add.f32.msk $0xffff, v1  }
0xf4: {  	v1 =	vld.idx.msk [tilespmem:v0+s6+$0x60 ss:$0x1], $0xffff  }
0xf5: {  	[tilespmem:s18+$0x0] =	vst.add.f32.msk $0xffff, v2  }
0xf6: {  	[tilespmem:s18+$0x10] =	vst.add.f32.msk $0xffff, v3  }
0xf7: {  	[tilespmem:s18+$0x20] =	vst.add.f32.msk $0xffff, v4  }
0xf8: {  	[tilespmem:s18+$0x30] =	vst.add.f32.msk $0xffff, v5  }
0xf9: {  	[tilespmem:s18+$0x40] =	vst.add.f32.msk $0xffff, v6  }
0xfa: {  	[tilespmem:s18+$0x50] =	vst.add.f32.msk $0xffff, v7  }
0xfb: {  	[tilespmem:s18+$0x60] =	vst.add.f32.msk $0xffff, v8  }
0xfc: {  	[tilespmem:s18+$0x70] =	vst.add.f32.msk $0xffff, v9  }
0xfd: {  	[tilespmem:s18+$0x400] =	vst.add.f32.msk $0xffff, v10  }
0xfe: {  	[tilespmem:s18+$0x410] =	vst.add.f32.msk $0xffff, v11  }
0xff: {  	[tilespmem:s18+$0x420] =	vst.add.f32.msk $0xffff, v12  }
0x100: {  	[tilespmem:s18+$0x430] =	vst.add.f32.msk $0xffff, v13  }
0x101: {  	[tilespmem:s18+$0x440] =	vst.add.f32.msk $0xffff, v14  }
0x102: {  	s21 =	simm.s32 $0x0;
	[tilespmem:s18+$0x450] =	vst.add.f32.msk $0xffff, v15;
	s6 =	simm.s32 $0x2000  }
.LBB2_17:
0x103: {  	s11 =	sshra.s32 s6, $0x2;
	s21 =	sadd.s32 $0x100, s21;
	[tilespmem:s18+$0x460] =	vst.add.f32.msk $0xffff, v1  }
0x104: {  	v1 =	vld.idx.msk [tilespmem:v0+s11+$0x70 ss:$0x1], $0xffff;
	p0 =	slt.u32 s21, $0x300  }
0x105: {  	v2 =	vld.idx.msk [tilespmem:v0+s11+$0xFFFFFC00 ss:$0x1], $0xffff  }
0x106: {  	v3 =	vld.idx.msk [tilespmem:v0+s11+$0xFFFFFC10 ss:$0x1], $0xffff  }
0x107: {  	v4 =	vld.idx.msk [tilespmem:v0+s11+$0xFFFFFC20 ss:$0x1], $0xffff  }
0x108: {  	v5 =	vld.idx.msk [tilespmem:v0+s11+$0xFFFFFC30 ss:$0x1], $0xffff  }
0x109: {  	s18 =	sadd.s32 s11, s8;
	v6 =	vld.idx.msk [tilespmem:v0+s11+$0xFFFFFC40 ss:$0x1], $0xffff  }
0x10a: {  	[tilespmem:s18+$0x470] =	vst.add.f32.msk $0xffff, v1  }
0x10b: {  	v7 =	vld.idx.msk [tilespmem:v0+s11+$0xFFFFFC50 ss:$0x1], $0xffff  }
0x10c: {  	v8 =	vld.idx.msk [tilespmem:v0+s11+$0xFFFFFC60 ss:$0x1], $0xffff  }
0x10d: {  	v9 =	vld.idx.msk [tilespmem:v0+s11+$0xFFFFFC70 ss:$0x1], $0xffff  }
0x10e: {  	v10 =	vld.idx.msk [tilespmem:v0+s11+$0x0 ss:$0x1], $0xffff  }
0x10f: {  	v11 =	vld.idx.msk [tilespmem:v0+s11+$0x10 ss:$0x1], $0xffff  }
0x110: {  	v12 =	vld.idx.msk [tilespmem:v0+s11+$0x20 ss:$0x1], $0xffff  }
0x111: {  	v13 =	vld.idx.msk [tilespmem:v0+s11+$0x30 ss:$0x1], $0xffff  }
0x112: {  	v14 =	vld.idx.msk [tilespmem:v0+s11+$0x40 ss:$0x1], $0xffff  }
0x113: {  	v15 =	vld.idx.msk [tilespmem:v0+s11+$0x50 ss:$0x1], $0xffff  }
0x114: {  	v1 =	vld.idx.msk [tilespmem:v0+s11+$0x60 ss:$0x1], $0xffff  }
0x115: {  	[tilespmem:s18+$0x0] =	vst.add.f32.msk $0xffff, v2  }
0x116: {  	[tilespmem:s18+$0x10] =	vst.add.f32.msk $0xffff, v3  }
0x117: {  	[tilespmem:s18+$0x20] =	vst.add.f32.msk $0xffff, v4  }
0x118: {  	[tilespmem:s18+$0x30] =	vst.add.f32.msk $0xffff, v5  }
0x119: {  	[tilespmem:s18+$0x40] =	vst.add.f32.msk $0xffff, v6  }
0x11a: {  	[tilespmem:s18+$0x50] =	vst.add.f32.msk $0xffff, v7  }
0x11b: {  	[tilespmem:s18+$0x60] =	vst.add.f32.msk $0xffff, v8  }
0x11c: {  	[tilespmem:s18+$0x70] =	vst.add.f32.msk $0xffff, v9  }
0x11d: {  	[tilespmem:s18+$0x400] =	vst.add.f32.msk $0xffff, v10  }
.Ltmp6:
0x11e: {  	[tilespmem:s18+$0x410] =	vst.add.f32.msk $0xffff, v11;
	(pc) =	sbr.rel @p0 .LBB2_17-.Ltmp6, $4  }
0x11f: {  	[tilespmem:s18+$0x420] =	vst.add.f32.msk $0xffff, v12  }
0x120: {  	[tilespmem:s18+$0x430] =	vst.add.f32.msk $0xffff, v13  }
0x121: {  	[tilespmem:s18+$0x440] =	vst.add.f32.msk $0xffff, v14  }
0x122: {  	s6 =	sadd.s32 $0x2000, s6;
	[tilespmem:s18+$0x450] =	vst.add.f32.msk $0xffff, v15  }
0x123: {  	s25 =	sadd.s32 $0x1, s25  }
0x124: {  	p0 =	sne.s32 s25, $0x8  }
.Ltmp7:
0x125: {  	_ = 	snop;
	(pc) =	sbr.rel @p0 .LBB2_16-.Ltmp7, $2  }
0x126: {  	_ =	sdelay $0x2  }
0x127: {  	[tilespmem:s18+$0x460] =	vst.add.f32.msk $0xffff, v1;
	s8 =	sadd.s32 $0x80, s8;
	s7 =	sadd.s32 $0x80, s7  }
0x128: {  	s16 =	sadd.s32 $0x1, s16  }
0x129: {  	p0 =	sne.s32 s16, $0x4  }
.Ltmp8:
0x12a: {  	_ = 	snop;
	(pc) =	sbr.rel @p0 .LBB2_15-.Ltmp8, $2  }
0x12b: {  	_ =	sdelay $0x2  }
0x12c: {  	s17 =	sadd.s32 $0x2000, s17  }
0x12d: {  	s6 =	sadd.s32 s4, s15;
	s25 =	sadd.s32 s10, s14  }
0x12e: {  	[hbm4b:s6+s19] =	stream.strided.scatter [tilespmem:s26], [sflag:$0x6], $0x8000, s20, s19, $0x38;
	[tilespmem:$0x1E000] =	vst v63  }
0x12f: {  	s9 =	sadd.s32 $0x1, s9;
	s6 =	sshll.u32 s25, $0xA  }
0x130: {  	s8 =	simm.s32 $0x1A000;
	p0 =	sne.s32 s9, $0xA;
	s7 =	sadd.s32 s3, s6  }
0x131: {  	[tilespmem:s8], [sflag:$0x8] =	stream.linear.gather [hbm4b:s7+s5], $0x2000, $0x38;
	[tilespmem:$0x1E000] =	vst v63  }
.Ltmp9:
0x132: {  	_ = 	snop;
	(pc) =	sbr.rel @p0 .LBB2_2-.Ltmp9, $4  }
0x133: {  	_ =	swait.ge [sflag:s1], $0x8000  }
0x134: {  	[sflag:s1] =	ssyncset.done $0x0  }
0x135: {  	s6 =	sadd.s32 s2, s6;
	[sflag:s1] =	ssyncadd.s32 $0xFFFF8000  }
0x136: {  	[tilespmem:s22], [sflag:$0x2] =	stream.strided.gather [hbm4b:s6+s19], $0x8000, s20, s19, $0x38;
	[tilespmem:$0x1E000] =	vst v63  }
0x137: {  	_ =	swait.ge [sflag:s23], $0x2000  }
0x138: {  	[sflag:s23] =	ssyncset.done $0x0  }
0x139: {  	[sflag:s23] =	ssyncadd.s32 $0xFFFFE000  }
0x13a: {  	_ =	swait.ge [sflag:s24], $0x8000  }
0x13b: {  	[sflag:s24] =	ssyncset.done $0x0  }
0x13c: {  	s9 =	simm.s32 $0x0;
	s10 =	simm.s32 $0x0;
	[sflag:s24] =	ssyncadd.s32 $0xFFFF8000  }
.LBB2_22:
0x13d: {  	s7 =	simm.s32 $0x18400;
	s8 =	smov.u32 s9;
	s15 =	simm.s32 $0x0  }
.LBB2_23:
0x13e: {  	v0 =	vmov s7;
	_ =	sdelay $0x3  }
0x13f: {  	s6 =	simm.s32 $0x0  }
0x140: {  	v1 =	vld.idx.msk [tilespmem:v0+s6+$0x70 ss:$0x1], $0xffff  }
0x141: {  	v2 =	vld.idx.msk [tilespmem:v0+s6+$0xFFFFFC00 ss:$0x1], $0xffff  }
0x142: {  	v3 =	vld.idx.msk [tilespmem:v0+s6+$0xFFFFFC10 ss:$0x1], $0xffff  }
0x143: {  	v4 =	vld.idx.msk [tilespmem:v0+s6+$0xFFFFFC20 ss:$0x1], $0xffff  }
0x144: {  	v5 =	vld.idx.msk [tilespmem:v0+s6+$0xFFFFFC30 ss:$0x1], $0xffff  }
0x145: {  	v6 =	vld.idx.msk [tilespmem:v0+s6+$0xFFFFFC40 ss:$0x1], $0xffff  }
0x146: {  	v7 =	vld.idx.msk [tilespmem:v0+s6+$0xFFFFFC50 ss:$0x1], $0xffff  }
0x147: {  	v8 =	vld.idx.msk [tilespmem:v0+s6+$0xFFFFFC60 ss:$0x1], $0xffff  }
0x148: {  	v9 =	vld.idx.msk [tilespmem:v0+s6+$0xFFFFFC70 ss:$0x1], $0xffff  }
0x149: {  	v10 =	vld.idx.msk [tilespmem:v0+s6+$0x0 ss:$0x1], $0xffff  }
0x14a: {  	v11 =	vld.idx.msk [tilespmem:v0+s6+$0x10 ss:$0x1], $0xffff  }
0x14b: {  	v12 =	vld.idx.msk [tilespmem:v0+s6+$0x20 ss:$0x1], $0xffff  }
0x14c: {  	v13 =	vld.idx.msk [tilespmem:v0+s6+$0x30 ss:$0x1], $0xffff  }
0x14d: {  	v14 =	vld.idx.msk [tilespmem:v0+s6+$0x40 ss:$0x1], $0xffff  }
0x14e: {  	s16 =	sadd.s32 $0x0, s8;
	v15 =	vld.idx.msk [tilespmem:v0+s6+$0x50 ss:$0x1], $0xffff  }
0x14f: {  	[tilespmem:s16+$0x470] =	vst.add.f32.msk $0xffff, v1  }
0x150: {  	v1 =	vld.idx.msk [tilespmem:v0+s6+$0x60 ss:$0x1], $0xffff  }
0x151: {  	[tilespmem:s16+$0x0] =	vst.add.f32.msk $0xffff, v2  }
0x152: {  	[tilespmem:s16+$0x10] =	vst.add.f32.msk $0xffff, v3  }
0x153: {  	[tilespmem:s16+$0x20] =	vst.add.f32.msk $0xffff, v4  }
0x154: {  	[tilespmem:s16+$0x30] =	vst.add.f32.msk $0xffff, v5  }
0x155: {  	[tilespmem:s16+$0x40] =	vst.add.f32.msk $0xffff, v6  }
0x156: {  	[tilespmem:s16+$0x50] =	vst.add.f32.msk $0xffff, v7  }
0x157: {  	[tilespmem:s16+$0x60] =	vst.add.f32.msk $0xffff, v8  }
0x158: {  	[tilespmem:s16+$0x70] =	vst.add.f32.msk $0xffff, v9  }
0x159: {  	[tilespmem:s16+$0x400] =	vst.add.f32.msk $0xffff, v10  }
0x15a: {  	[tilespmem:s16+$0x410] =	vst.add.f32.msk $0xffff, v11  }
0x15b: {  	[tilespmem:s16+$0x420] =	vst.add.f32.msk $0xffff, v12  }
0x15c: {  	[tilespmem:s16+$0x430] =	vst.add.f32.msk $0xffff, v13  }
0x15d: {  	[tilespmem:s16+$0x440] =	vst.add.f32.msk $0xffff, v14  }
0x15e: {  	s17 =	simm.s32 $0x0;
	[tilespmem:s16+$0x450] =	vst.add.f32.msk $0xffff, v15;
	s6 =	simm.s32 $0x2000  }
.LBB2_24:
0x15f: {  	s11 =	sshra.s32 s6, $0x2;
	s17 =	sadd.s32 $0x100, s17;
	[tilespmem:s16+$0x460] =	vst.add.f32.msk $0xffff, v1  }
0x160: {  	v1 =	vld.idx.msk [tilespmem:v0+s11+$0x70 ss:$0x1], $0xffff;
	p0 =	slt.u32 s17, $0x300  }
0x161: {  	v2 =	vld.idx.msk [tilespmem:v0+s11+$0xFFFFFC00 ss:$0x1], $0xffff  }
0x162: {  	v3 =	vld.idx.msk [tilespmem:v0+s11+$0xFFFFFC10 ss:$0x1], $0xffff  }
0x163: {  	v4 =	vld.idx.msk [tilespmem:v0+s11+$0xFFFFFC20 ss:$0x1], $0xffff  }
0x164: {  	v5 =	vld.idx.msk [tilespmem:v0+s11+$0xFFFFFC30 ss:$0x1], $0xffff  }
0x165: {  	s16 =	sadd.s32 s11, s8;
	v6 =	vld.idx.msk [tilespmem:v0+s11+$0xFFFFFC40 ss:$0x1], $0xffff  }
0x166: {  	[tilespmem:s16+$0x470] =	vst.add.f32.msk $0xffff, v1  }
0x167: {  	v7 =	vld.idx.msk [tilespmem:v0+s11+$0xFFFFFC50 ss:$0x1], $0xffff  }
0x168: {  	v8 =	vld.idx.msk [tilespmem:v0+s11+$0xFFFFFC60 ss:$0x1], $0xffff  }
0x169: {  	v9 =	vld.idx.msk [tilespmem:v0+s11+$0xFFFFFC70 ss:$0x1], $0xffff  }
0x16a: {  	v10 =	vld.idx.msk [tilespmem:v0+s11+$0x0 ss:$0x1], $0xffff  }
0x16b: {  	v11 =	vld.idx.msk [tilespmem:v0+s11+$0x10 ss:$0x1], $0xffff  }
0x16c: {  	v12 =	vld.idx.msk [tilespmem:v0+s11+$0x20 ss:$0x1], $0xffff  }
0x16d: {  	v13 =	vld.idx.msk [tilespmem:v0+s11+$0x30 ss:$0x1], $0xffff  }
0x16e: {  	v14 =	vld.idx.msk [tilespmem:v0+s11+$0x40 ss:$0x1], $0xffff  }
0x16f: {  	v15 =	vld.idx.msk [tilespmem:v0+s11+$0x50 ss:$0x1], $0xffff  }
0x170: {  	v1 =	vld.idx.msk [tilespmem:v0+s11+$0x60 ss:$0x1], $0xffff  }
0x171: {  	[tilespmem:s16+$0x0] =	vst.add.f32.msk $0xffff, v2  }
0x172: {  	[tilespmem:s16+$0x10] =	vst.add.f32.msk $0xffff, v3  }
0x173: {  	[tilespmem:s16+$0x20] =	vst.add.f32.msk $0xffff, v4  }
0x174: {  	[tilespmem:s16+$0x30] =	vst.add.f32.msk $0xffff, v5  }
0x175: {  	[tilespmem:s16+$0x40] =	vst.add.f32.msk $0xffff, v6  }
0x176: {  	[tilespmem:s16+$0x50] =	vst.add.f32.msk $0xffff, v7  }
0x177: {  	[tilespmem:s16+$0x60] =	vst.add.f32.msk $0xffff, v8  }
0x178: {  	[tilespmem:s16+$0x70] =	vst.add.f32.msk $0xffff, v9  }
0x179: {  	[tilespmem:s16+$0x400] =	vst.add.f32.msk $0xffff, v10  }
.Ltmp10:
0x17a: {  	[tilespmem:s16+$0x410] =	vst.add.f32.msk $0xffff, v11;
	(pc) =	sbr.rel @p0 .LBB2_24-.Ltmp10, $4  }
0x17b: {  	[tilespmem:s16+$0x420] =	vst.add.f32.msk $0xffff, v12  }
0x17c: {  	[tilespmem:s16+$0x430] =	vst.add.f32.msk $0xffff, v13  }
0x17d: {  	[tilespmem:s16+$0x440] =	vst.add.f32.msk $0xffff, v14  }
0x17e: {  	s6 =	sadd.s32 $0x2000, s6;
	[tilespmem:s16+$0x450] =	vst.add.f32.msk $0xffff, v15  }
0x17f: {  	s15 =	sadd.s32 $0x1, s15  }
0x180: {  	p0 =	sne.s32 s15, $0x8  }
.Ltmp11:
0x181: {  	_ = 	snop;
	(pc) =	sbr.rel @p0 .LBB2_23-.Ltmp11, $2  }
0x182: {  	_ =	sdelay $0x2  }
0x183: {  	[tilespmem:s16+$0x460] =	vst.add.f32.msk $0xffff, v1;
	s8 =	sadd.s32 $0x80, s8;
	s7 =	sadd.s32 $0x80, s7  }
0x184: {  	s10 =	sadd.s32 $0x1, s10  }
0x185: {  	p0 =	sne.s32 s10, $0x4  }
.Ltmp12:
0x186: {  	_ = 	snop;
	(pc) =	sbr.rel @p0 .LBB2_22-.Ltmp12, $2  }
0x187: {  	_ =	sdelay $0x2  }
0x188: {  	s9 =	sadd.s32 $0x2000, s9  }
0x189: {  	s9 =	simm.s32 $0x0;
	s6 =	rddreg [dreg:$0xa]  }
0x18a: {  	[hbm4b:s6+s19] =	stream.strided.scatter [tilespmem:s9], [sflag:$0x4], $0x8000, s20, s19, $0x38;
	[tilespmem:$0x1E000] =	vst v63  }
0x18b: {  	_ =	swait.ge [sflag:s28], $0x2000  }
0x18c: {  	[sflag:s28] =	ssyncset.done $0x0  }
0x18d: {  	[sflag:s28] =	ssyncadd.s32 $0xFFFFE000  }
0x18e: {  	_ =	swait.ge [sflag:s29], $0x8000  }
0x18f: {  	[sflag:s29] =	ssyncset.done $0x0  }
0x190: {  	s10 =	simm.s32 $0x8000;
	[sflag:s29] =	ssyncadd.s32 $0xFFFF8000  }
.LBB2_28:
0x191: {  	s7 =	simm.s32 $0x1A400;
	s8 =	smov.u32 s10;
	s15 =	simm.s32 $0x0  }
.LBB2_29:
0x192: {  	v0 =	vmov s7;
	_ =	sdelay $0x3  }
0x193: {  	s6 =	simm.s32 $0x0  }
0x194: {  	v1 =	vld.idx.msk [tilespmem:v0+s6+$0x70 ss:$0x1], $0xffff  }
0x195: {  	v2 =	vld.idx.msk [tilespmem:v0+s6+$0xFFFFFC00 ss:$0x1], $0xffff  }
0x196: {  	v3 =	vld.idx.msk [tilespmem:v0+s6+$0xFFFFFC10 ss:$0x1], $0xffff  }
0x197: {  	v4 =	vld.idx.msk [tilespmem:v0+s6+$0xFFFFFC20 ss:$0x1], $0xffff  }
0x198: {  	v5 =	vld.idx.msk [tilespmem:v0+s6+$0xFFFFFC30 ss:$0x1], $0xffff  }
0x199: {  	v6 =	vld.idx.msk [tilespmem:v0+s6+$0xFFFFFC40 ss:$0x1], $0xffff  }
0x19a: {  	v7 =	vld.idx.msk [tilespmem:v0+s6+$0xFFFFFC50 ss:$0x1], $0xffff  }
0x19b: {  	v8 =	vld.idx.msk [tilespmem:v0+s6+$0xFFFFFC60 ss:$0x1], $0xffff  }
0x19c: {  	v9 =	vld.idx.msk [tilespmem:v0+s6+$0xFFFFFC70 ss:$0x1], $0xffff  }
0x19d: {  	v10 =	vld.idx.msk [tilespmem:v0+s6+$0x0 ss:$0x1], $0xffff  }
0x19e: {  	v11 =	vld.idx.msk [tilespmem:v0+s6+$0x10 ss:$0x1], $0xffff  }
0x19f: {  	v12 =	vld.idx.msk [tilespmem:v0+s6+$0x20 ss:$0x1], $0xffff  }
0x1a0: {  	v13 =	vld.idx.msk [tilespmem:v0+s6+$0x30 ss:$0x1], $0xffff  }
0x1a1: {  	v14 =	vld.idx.msk [tilespmem:v0+s6+$0x40 ss:$0x1], $0xffff  }
0x1a2: {  	s16 =	sadd.s32 $0x0, s8;
	v15 =	vld.idx.msk [tilespmem:v0+s6+$0x50 ss:$0x1], $0xffff  }
0x1a3: {  	[tilespmem:s16+$0x470] =	vst.add.f32.msk $0xffff, v1  }
0x1a4: {  	v1 =	vld.idx.msk [tilespmem:v0+s6+$0x60 ss:$0x1], $0xffff  }
0x1a5: {  	[tilespmem:s16+$0x0] =	vst.add.f32.msk $0xffff, v2  }
0x1a6: {  	[tilespmem:s16+$0x10] =	vst.add.f32.msk $0xffff, v3  }
0x1a7: {  	[tilespmem:s16+$0x20] =	vst.add.f32.msk $0xffff, v4  }
0x1a8: {  	[tilespmem:s16+$0x30] =	vst.add.f32.msk $0xffff, v5  }
0x1a9: {  	[tilespmem:s16+$0x40] =	vst.add.f32.msk $0xffff, v6  }
0x1aa: {  	[tilespmem:s16+$0x50] =	vst.add.f32.msk $0xffff, v7  }
0x1ab: {  	[tilespmem:s16+$0x60] =	vst.add.f32.msk $0xffff, v8  }
0x1ac: {  	[tilespmem:s16+$0x70] =	vst.add.f32.msk $0xffff, v9  }
0x1ad: {  	[tilespmem:s16+$0x400] =	vst.add.f32.msk $0xffff, v10  }
0x1ae: {  	[tilespmem:s16+$0x410] =	vst.add.f32.msk $0xffff, v11  }
0x1af: {  	[tilespmem:s16+$0x420] =	vst.add.f32.msk $0xffff, v12  }
0x1b0: {  	[tilespmem:s16+$0x430] =	vst.add.f32.msk $0xffff, v13  }
0x1b1: {  	[tilespmem:s16+$0x440] =	vst.add.f32.msk $0xffff, v14  }
0x1b2: {  	s17 =	simm.s32 $0x0;
	[tilespmem:s16+$0x450] =	vst.add.f32.msk $0xffff, v15;
	s6 =	simm.s32 $0x2000  }
.LBB2_30:
0x1b3: {  	s11 =	sshra.s32 s6, $0x2;
	s17 =	sadd.s32 $0x100, s17;
	[tilespmem:s16+$0x460] =	vst.add.f32.msk $0xffff, v1  }
0x1b4: {  	v1 =	vld.idx.msk [tilespmem:v0+s11+$0x70 ss:$0x1], $0xffff;
	p0 =	slt.u32 s17, $0x300  }
0x1b5: {  	v2 =	vld.idx.msk [tilespmem:v0+s11+$0xFFFFFC00 ss:$0x1], $0xffff  }
0x1b6: {  	v3 =	vld.idx.msk [tilespmem:v0+s11+$0xFFFFFC10 ss:$0x1], $0xffff  }
0x1b7: {  	v4 =	vld.idx.msk [tilespmem:v0+s11+$0xFFFFFC20 ss:$0x1], $0xffff  }
0x1b8: {  	v5 =	vld.idx.msk [tilespmem:v0+s11+$0xFFFFFC30 ss:$0x1], $0xffff  }
0x1b9: {  	s16 =	sadd.s32 s11, s8;
	v6 =	vld.idx.msk [tilespmem:v0+s11+$0xFFFFFC40 ss:$0x1], $0xffff  }
0x1ba: {  	[tilespmem:s16+$0x470] =	vst.add.f32.msk $0xffff, v1  }
0x1bb: {  	v7 =	vld.idx.msk [tilespmem:v0+s11+$0xFFFFFC50 ss:$0x1], $0xffff  }
0x1bc: {  	v8 =	vld.idx.msk [tilespmem:v0+s11+$0xFFFFFC60 ss:$0x1], $0xffff  }
0x1bd: {  	v9 =	vld.idx.msk [tilespmem:v0+s11+$0xFFFFFC70 ss:$0x1], $0xffff  }
0x1be: {  	v10 =	vld.idx.msk [tilespmem:v0+s11+$0x0 ss:$0x1], $0xffff  }
0x1bf: {  	v11 =	vld.idx.msk [tilespmem:v0+s11+$0x10 ss:$0x1], $0xffff  }
0x1c0: {  	v12 =	vld.idx.msk [tilespmem:v0+s11+$0x20 ss:$0x1], $0xffff  }
0x1c1: {  	v13 =	vld.idx.msk [tilespmem:v0+s11+$0x30 ss:$0x1], $0xffff  }
0x1c2: {  	v14 =	vld.idx.msk [tilespmem:v0+s11+$0x40 ss:$0x1], $0xffff  }
0x1c3: {  	v15 =	vld.idx.msk [tilespmem:v0+s11+$0x50 ss:$0x1], $0xffff  }
0x1c4: {  	v1 =	vld.idx.msk [tilespmem:v0+s11+$0x60 ss:$0x1], $0xffff  }
0x1c5: {  	[tilespmem:s16+$0x0] =	vst.add.f32.msk $0xffff, v2  }
0x1c6: {  	[tilespmem:s16+$0x10] =	vst.add.f32.msk $0xffff, v3  }
0x1c7: {  	[tilespmem:s16+$0x20] =	vst.add.f32.msk $0xffff, v4  }
0x1c8: {  	[tilespmem:s16+$0x30] =	vst.add.f32.msk $0xffff, v5  }
0x1c9: {  	[tilespmem:s16+$0x40] =	vst.add.f32.msk $0xffff, v6  }
0x1ca: {  	[tilespmem:s16+$0x50] =	vst.add.f32.msk $0xffff, v7  }
0x1cb: {  	[tilespmem:s16+$0x60] =	vst.add.f32.msk $0xffff, v8  }
0x1cc: {  	[tilespmem:s16+$0x70] =	vst.add.f32.msk $0xffff, v9  }
0x1cd: {  	[tilespmem:s16+$0x400] =	vst.add.f32.msk $0xffff, v10  }
.Ltmp13:
0x1ce: {  	[tilespmem:s16+$0x410] =	vst.add.f32.msk $0xffff, v11;
	(pc) =	sbr.rel @p0 .LBB2_30-.Ltmp13, $4  }
0x1cf: {  	[tilespmem:s16+$0x420] =	vst.add.f32.msk $0xffff, v12  }
0x1d0: {  	[tilespmem:s16+$0x430] =	vst.add.f32.msk $0xffff, v13  }
0x1d1: {  	[tilespmem:s16+$0x440] =	vst.add.f32.msk $0xffff, v14  }
0x1d2: {  	s6 =	sadd.s32 $0x2000, s6;
	[tilespmem:s16+$0x450] =	vst.add.f32.msk $0xffff, v15  }
0x1d3: {  	s15 =	sadd.s32 $0x1, s15  }
0x1d4: {  	p0 =	sne.s32 s15, $0x8  }
.Ltmp14:
0x1d5: {  	_ = 	snop;
	(pc) =	sbr.rel @p0 .LBB2_29-.Ltmp14, $2  }
0x1d6: {  	_ =	sdelay $0x2  }
0x1d7: {  	[tilespmem:s16+$0x460] =	vst.add.f32.msk $0xffff, v1;
	s8 =	sadd.s32 $0x80, s8;
	s7 =	sadd.s32 $0x80, s7  }
0x1d8: {  	s9 =	sadd.s32 $0x1, s9  }
0x1d9: {  	p0 =	sne.s32 s9, $0x4  }
.Ltmp15:
0x1da: {  	_ = 	snop;
	(pc) =	sbr.rel @p0 .LBB2_28-.Ltmp15, $2  }
0x1db: {  	_ =	sdelay $0x2  }
0x1dc: {  	s10 =	sadd.s32 $0x2000, s10  }
0x1dd: {  	s6 =	rddreg [dreg:$0xb];
	s21 =	simm.s32 $0x6  }
0x1de: {  	[hbm4b:s6+s19] =	stream.strided.scatter [tilespmem:s22], [sflag:$0x5], $0x8000, s20, s19, $0x38;
	[tilespmem:$0x1E000] =	vst v63  }
0x1df: {  	_ =	swait.ge [sflag:s21], $0x8000  }
0x1e0: {  	[sflag:s21] =	ssyncset.done $0x0  }
0x1e1: {  	[sflag:s21] =	ssyncadd.s32 $0xFFFF8000  }
0x1e2: {  	_ =	swait.ge [sflag:s30], $0x8000  }
0x1e3: {  	[sflag:s30] =	ssyncset.done $0x0  }
0x1e4: {  	[sflag:s30] =	ssyncadd.s32 $0xFFFF8000  }
0x1e5: {  	_ =	swait.ge [sflag:s1], $0x8000  }
0x1e6: {  	s7 =	rddreg [dreg:$0xd]  }
0x1e7: {  	s25 =	rddreg [dreg:$0xc];
	s7 =	sadd.s32 $0x1, s7  }
0x1e8: {  	p0 =	sne.s32 s7, s25  }
.Ltmp16:
0x1e9: {  	_ = 	snop;
	(pc) =	sbr.rel @p0 .LBB2_1-.Ltmp16, $3  }
0x1ea: {  	_ =	sdelay $0x1  }
0x1eb: {  	[sflag:s1] =	ssyncset.done $0x0  }
0x1ec: {  	[sflag:s1] =	ssyncadd.s32 $0xFFFF8000  }
0x1ed: {  	_ =	sfence.sel $0x180000  }
0x1ee: {  	[bflag:$0x0] =	sbarrier.arrive $0xFFFF  }
0x1ef: {  	_ =	strace $0x90000047  }
0x1f0: {  	s0 =	stileid.u32;
	[bflag:$0x2] =	sbarrier.arrive $0xFFFF  }
0x1f1: {  	p0 =	sne.s32 s0, $0x0;
	s0 =	rddreg [dreg:$0x3]  }
0x1f2: {  	s0 =	sadd.s32 @!p0 $0x100000, s0  }
0x1f3: {  	[sflag:s0] =	ssyncadd.tile.s32 @!p0 $0x1;
	_ =	shalt  }
.Lfunc_end2:
_tile_overlayer_lowered:
.L_overlay_start_2:
0x1f4: {  	(tag) =	ssettag $0x2  }
0x1f5: {  	s0 =	rddreg [dreg:$0x0];
	s2 =	stileid.u32  }
0x1f6: {  	s1 =	rddreg [dreg:$0x1];
	p0 =	sne.s32 s2, $0x0  }
0x1f7: {  	s3 =	rddreg [dreg:$0x2];
	[bflag:$0x3] =	sbarrier.arrive $0xFFFF;
	s2 =	simm.s32 @!p0 $0x1C0A  }
0x1f8: {  	[timem:s3], [sflag:s2] =	dma.local @!p0 [hbm:s0], s1  }
0x1f9: {  	s0 =	simm.s32 @!p0 $0xA  }
0x1fa: {  	_ =	swait.ge @!p0 [sflag:s0], s1  }
0x1fb: {  	s1 =	ssub.s32 @!p0 $0x0, s1;
	[sflag:s0] =	ssyncset.done @!p0 $0x0  }
0x1fc: {  	[sflag:s0] =	ssyncadd.s32 @!p0 s1  }
0x1fd: {  	[bflag:$0x3] =	sbarrier.arrive $0xFFFF  }
0x1fe: {  	_ =	shalt  }

</sc_bundles>
